<compile_context>
chip_gen: v7x
topology: tpu7x:2x2x1
jax: 0.10.2.dev20260603
libtpu: 0.0.44.dev20260713+nightly
codegen_flags: <defaults>
</compile_context>

<pallas_src>
import jax
import jax.numpy as jnp
from jax import lax
from jax.experimental import pallas as pl
from jax.experimental.pallas import tpu as pltpu
from jax.experimental.pallas import tpu_sc as plsc

N, E, D, H, S, C, G = 10000, 320000, 128, 128, 64, 16, 64

_ROWS = 2000

_SC_NC, _SC_NS = 2, 16
_NW = _SC_NC * _SC_NS
_K = 128
_CHUNKS = E // _K
_VW = 2 * _NW
_SPC = 39
_XTRA = _CHUNKS - _VW * _SPC
_NP = 10112
_STRIPE = _NP // _SC_NS


def _sc_agg_body(h_hbm, src3_hbm, dst3_hbm, srcf_hbm, dstf_hbm,
                 agg_out, idx_v, dst2_v, idxx_v, dstx_v,
                 buf_a, buf_b, sh_agg, sem_a, sem_b):
    c = lax.axis_index("c")
    s = lax.axis_index("s")
    wid = s * _SC_NC + c

    zv = jnp.zeros((16,), jnp.float32)

    def zrow(i, carry):
        buf_a[lax.div(i, 8), pl.ds(lax.rem(i, 8) * 16, 16)] = zv
        return carry
    lax.fori_loop(0, _K * 8, zrow, 0)

    def zstripe(j, carry):
        pltpu.sync_copy(buf_a.at[pl.ds(0, _STRIPE // 8)],
                        sh_agg.at[pl.ds(s * _STRIPE + j * (_STRIPE // 8),
                                        _STRIPE // 8)])
        return carry
    lax.fori_loop(0, 8, zstripe, 0)

    plsc.subcore_barrier()

    def gather(j, buf, sem):
        pltpu.async_copy(h_hbm.at[idx_v.at[j]], buf, sem)

    def gwait(j, buf, sem):
        pltpu.make_async_copy(h_hbm.at[idx_v.at[j]], buf, sem).wait()

    for b in range(2):
        pltpu.sync_copy(src3_hbm.at[2 * wid + b], idx_v)
        pltpu.sync_copy(dst3_hbm.at[2 * wid + b], dst2_v)
        gather(0, buf_a, sem_a)
        gather(1, buf_b, sem_b)

        def pair(k, carry):
            j0 = 2 * k
            gwait(j0, buf_a, sem_a)
            pltpu.sync_copy(buf_a, sh_agg.at[dst2_v.at[j0]], add=True)
            gather(j0 + 2, buf_a, sem_a)

            gwait(j0 + 1, buf_b, sem_b)
            pltpu.sync_copy(buf_b, sh_agg.at[dst2_v.at[j0 + 1]], add=True)

            @pl.when(k < _SPC // 2 - 1)
            def _gb():
                gather(j0 + 3, buf_b, sem_b)

            return carry

        lax.fori_loop(0, _SPC // 2, pair, 0)
        gwait(_SPC - 1, buf_a, sem_a)
        pltpu.sync_copy(buf_a, sh_agg.at[dst2_v.at[_SPC - 1]], add=True)

    @pl.when(wid < _XTRA)
    def _extra():
        base = (_VW * _SPC + wid) * _K
        pltpu.sync_copy(srcf_hbm.at[pl.ds(base, _K)], idxx_v)
        pltpu.sync_copy(dstf_hbm.at[pl.ds(base, _K)], dstx_v)
        pltpu.async_copy(h_hbm.at[idxx_v], buf_a, sem_a).wait()
        pltpu.sync_copy(buf_a, sh_agg.at[dstx_v], add=True)

    plsc.subcore_barrier()
    pltpu.sync_copy(sh_agg.at[pl.ds(s * _STRIPE, _STRIPE)],
                    agg_out.at[c, pl.ds(s * _STRIPE, _STRIPE)])


@jax.jit
def _sc_agg(h, src3, dst3, srcf, dstf):
    mesh = plsc.VectorSubcoreMesh(core_axis_name="c", subcore_axis_name="s")
    return pl.kernel(
        _sc_agg_body,
        out_type=jax.ShapeDtypeStruct((_SC_NC, _NP, D), jnp.float32),
        mesh=mesh,
        scratch_types=(
            pltpu.VMEM((_SPC, _K), jnp.int32),
            pltpu.VMEM((_SPC, _K), jnp.int32),
            pltpu.VMEM((_K,), jnp.int32),
            pltpu.VMEM((_K,), jnp.int32),
            pltpu.VMEM((_K, D), jnp.float32),
            pltpu.VMEM((_K, D), jnp.float32),
            pltpu.VMEM_SHARED((_NP, D), jnp.float32),
            pltpu.SemaphoreType.DMA,
            pltpu.SemaphoreType.DMA,
        ),
    )(h, src3, dst3, srcf, dstf)


_EB = 12800
_DR = _NP // _K


def _deg_body(dst_ref, o_ref, acc_ref):
    i = pl.program_id(0)

    @pl.when(i == 0)
    def _init():
        acc_ref[...] = jnp.zeros((_DR, _K), jnp.float32)

    d = dst_ref[...]
    q = lax.shift_right_logical(d, 7)
    r = lax.bitwise_and(d, 127)
    oq = (q == lax.broadcasted_iota(jnp.int32, (1, _DR), 1)
          ).astype(jnp.bfloat16)
    orr = (r == lax.broadcasted_iota(jnp.int32, (1, _K), 1)
           ).astype(jnp.bfloat16)
    acc_ref[...] += lax.dot_general(oq, orr, (((0,), (0,)), ((), ())),
                                    preferred_element_type=jnp.float32)

    @pl.when(i == pl.num_programs(0) - 1)
    def _fin():
        o_ref[...] = acc_ref[...]


def _deg(dstc):
    return pl.pallas_call(
        _deg_body,
        grid=(E // _EB,),
        in_specs=[pl.BlockSpec((_EB, 1), lambda i: (i, 0))],
        out_specs=pl.BlockSpec((_DR, _K), lambda i: (0, 0)),
        out_shape=jax.ShapeDtypeStruct((_DR, _K), jnp.float32),
        scratch_shapes=[pltpu.VMEM((_DR, _K), jnp.float32)],
    )(dstc)


def _bn_body(x_ref, g_ref, b_ref, o_ref):
    x = x_ref[...]
    mu = jnp.mean(x, axis=0, keepdims=True)
    var = jnp.mean((x - mu) ** 2, axis=0, keepdims=True)
    o_ref[...] = (x - mu) / jnp.sqrt(var + 1e-5) * g_ref[...] + b_ref[...]


def _bn(x, gamma, beta):
    return pl.pallas_call(
        _bn_body,
        out_shape=jax.ShapeDtypeStruct((N, D), jnp.float32),
    )(x, gamma.reshape(1, D), beta.reshape(1, D))


def _combine_body(p_ref, deg_ref, h_ref, wl_ref, bl_ref, wr_ref, o_ref):
    agg = jnp.sum(p_ref[...], axis=0)
    zl = lax.dot_general(agg, wl_ref[...], (((1,), (1,)), ((), ())),
                         preferred_element_type=jnp.float32)
    zr = lax.dot_general(h_ref[...], wr_ref[...], (((1,), (1,)), ((), ())),
                         preferred_element_type=jnp.float32)
    deg = jnp.maximum(deg_ref[...], 1.0)
    z = zl / deg + bl_ref[...] + zr
    o_ref[...] = jnp.where(z > 0, z, jnp.exp(jnp.minimum(z, 0.0)) - 1.0)


def _combine(partials, deg, h, Wl, bl, Wr):
    P = partials.shape[0]
    grid = N // _ROWS
    return pl.pallas_call(
        _combine_body,
        grid=(grid,),
        in_specs=[
            pl.BlockSpec((P, _ROWS, D), lambda i: (0, i, 0)),
            pl.BlockSpec((_ROWS, 1), lambda i: (i, 0)),
            pl.BlockSpec((_ROWS, D), lambda i: (i, 0)),
            pl.BlockSpec((H, D), lambda i: (0, 0)),
            pl.BlockSpec((1, H), lambda i: (0, 0)),
            pl.BlockSpec((H, D), lambda i: (0, 0)),
        ],
        out_specs=pl.BlockSpec((_ROWS, H), lambda i: (i, 0)),
        out_shape=jax.ShapeDtypeStruct((N, H), jnp.float32),
    )(partials, deg, h, Wl, bl.reshape(1, H), Wr)


def _final_body(p_ref, deg_ref, h_ref, wl_ref, bl_ref, wr_ref,
                batch_ref, wc1_ref, bc1_ref, wc2_ref, bc2_ref,
                out_ref, rv_ref, acc_ref):
    i = pl.program_id(0)
    nsteps = pl.num_programs(0)

    @pl.when(i == 0)
    def _init():
        acc_ref[...] = jnp.full((G, H), -jnp.inf, jnp.float32)

    agg = jnp.sum(p_ref[...], axis=0)
    zl = lax.dot_general(agg, wl_ref[...], (((1,), (1,)), ((), ())),
                         preferred_element_type=jnp.float32)
    zr = lax.dot_general(h_ref[...], wr_ref[...], (((1,), (1,)), ((), ())),
                         preferred_element_type=jnp.float32)
    deg = jnp.maximum(deg_ref[...], 1.0)
    z = zl / deg + bl_ref[...] + zr
    h2 = jnp.where(z > 0, z, jnp.exp(jnp.minimum(z, 0.0)) - 1.0)

    batch = batch_ref[...]
    gmin = jnp.min(batch)
    gmax = jnp.max(batch)

    def body(g, _):
        m = batch == g
        val = jnp.max(jnp.where(m, h2, -jnp.inf), axis=0, keepdims=True)
        cur = acc_ref[pl.ds(g, 1), :]
        acc_ref[pl.ds(g, 1), :] = jnp.maximum(cur, val)
        return 0

    lax.fori_loop(gmin, gmax + 1, body, 0)

    @pl.when(i == nsteps - 1)
    def _fin():
        acc = acc_ref[...]
        read_out = jnp.where(jnp.isfinite(acc), acc, 0.0)
        rv = lax.dot_general(read_out, wc1_ref[...], (((1,), (1,)), ((), ())),
                             preferred_element_type=jnp.float32) + bc1_ref[...]
        out = lax.dot_general(rv, wc2_ref[...], (((1,), (1,)), ((), ())),
                              preferred_element_type=jnp.float32) + bc2_ref[...]
        rv_ref[...] = rv
        out_ref[...] = out


def _final(partials, deg, h, Wl, bl, Wr, batch, Wc1, bc1, Wc2, bc2):
    P = partials.shape[0]
    grid = N // _ROWS
    return pl.pallas_call(
        _final_body,
        grid=(grid,),
        in_specs=[
            pl.BlockSpec((P, _ROWS, D), lambda i: (0, i, 0)),
            pl.BlockSpec((_ROWS, 1), lambda i: (i, 0)),
            pl.BlockSpec((_ROWS, D), lambda i: (i, 0)),
            pl.BlockSpec((H, H), lambda i: (0, 0)),
            pl.BlockSpec((1, H), lambda i: (0, 0)),
            pl.BlockSpec((H, H), lambda i: (0, 0)),
            pl.BlockSpec((_ROWS, 1), lambda i: (i, 0)),
            pl.BlockSpec((S, H), lambda i: (0, 0)),
            pl.BlockSpec((1, S), lambda i: (0, 0)),
            pl.BlockSpec((C, S), lambda i: (0, 0)),
            pl.BlockSpec((1, C), lambda i: (0, 0)),
        ],
        out_specs=[
            pl.BlockSpec((G, C), lambda i: (0, 0)),
            pl.BlockSpec((G, S), lambda i: (0, 0)),
        ],
        out_shape=[
            jax.ShapeDtypeStruct((G, C), jnp.float32),
            jax.ShapeDtypeStruct((G, S), jnp.float32),
        ],
        scratch_shapes=[pltpu.VMEM((G, H), jnp.float32)],
    )(partials, deg, h, Wl, bl.reshape(1, H), Wr, batch,
      Wc1, bc1.reshape(1, S), Wc2, bc2.reshape(1, C))


def kernel(x, edge_index, batch, bn_gamma, bn_beta,
           W1l, b1l, W1r, W2l, b2l, W2r, Wc1, bc1, Wc2, bc2):
    srcf = edge_index[0]
    dstf = edge_index[1]
    main = _VW * _SPC * _K
    src3 = srcf[:main].reshape(_VW, _SPC, _K)
    dst3 = dstf[:main].reshape(_VW, _SPC, _K)

    degf = _deg(dstf[:, None]).reshape(_NP)[:N, None]

    h0 = _bn(x, bn_gamma, bn_beta)
    agg1 = _sc_agg(h0, src3, dst3, srcf, dstf)
    h1 = _combine(agg1, degf, h0, W1l, b1l, W1r)
    agg2 = _sc_agg(h1, src3, dst3, srcf, dstf)
    out, rv = _final(agg2, degf, h1, W2l, b2l, W2r, batch[:, None],
                     Wc1, bc1, Wc2, bc2)
    return (out, rv)

# --- scband reference (transcript-rebuilt; emitter-appended) ---
"""Pipeline reference for scband-main-graph-62964220559445 (READ-ONLY COPY).

The authoritative reference and input builder live on the scoring server;
editing this copy changes nothing except your own understanding.
"""

import jax, jax.numpy as jnp
import numpy as np

N, E, D, H, S, C, G = 10000, 320000, 128, 128, 64, 16, 64


def setup_inputs(seed: int = 0) -> dict:
    key = jax.random.key(seed)
    ks = jax.random.split(key, 16)
    x = jax.random.normal(ks[0], (N, D), dtype=jnp.float32)
    edge_index = jax.random.randint(ks[1], (2, E), 0, N)
    batch = jnp.sort(jax.random.randint(ks[2], (N,), 0, G))
    # BatchNorm1d affine params
    bn_gamma = jnp.ones((D,), dtype=jnp.float32)
    bn_beta = jnp.zeros((D,), dtype=jnp.float32)
    # SAGEConv1: lin_l (applied to aggregated neighbors, with bias), lin_r (root, no bias)
    W1l = jax.random.normal(ks[3], (H, D), dtype=jnp.float32) * 0.05
    b1l = jnp.zeros((H,), dtype=jnp.float32)
    W1r = jax.random.normal(ks[4], (H, D), dtype=jnp.float32) * 0.05
    # SAGEConv2
    W2l = jax.random.normal(ks[5], (H, H), dtype=jnp.float32) * 0.05
    b2l = jnp.zeros((H,), dtype=jnp.float32)
    W2r = jax.random.normal(ks[6], (H, H), dtype=jnp.float32) * 0.05
    # classify1: hidden -> services_num
    Wc1 = jax.random.normal(ks[7], (S, H), dtype=jnp.float32) * 0.05
    bc1 = jnp.zeros((S,), dtype=jnp.float32)
    # classify2: services_num -> n_classes
    Wc2 = jax.random.normal(ks[8], (C, S), dtype=jnp.float32) * 0.05
    bc2 = jnp.zeros((C,), dtype=jnp.float32)
    return {"x": x, "edge_index": edge_index, "batch": batch,
            "bn_gamma": bn_gamma, "bn_beta": bn_beta,
            "W1l": W1l, "b1l": b1l, "W1r": W1r,
            "W2l": W2l, "b2l": b2l, "W2r": W2r,
            "Wc1": Wc1, "bc1": bc1, "Wc2": Wc2, "bc2": bc2}


def reference(x, edge_index, batch, bn_gamma, bn_beta,
              W1l, b1l, W1r, W2l, b2l, W2r, Wc1, bc1, Wc2, bc2):
    src = edge_index[0]
    dst = edge_index[1]
    # BatchNorm1d (training-mode forward: batch statistics)
    mu = jnp.mean(x, axis=0)
    var = jnp.var(x, axis=0)
    h = (x - mu) / jnp.sqrt(var + 1e-5) * bn_gamma + bn_beta

    def sage(h, Wl, bl, Wr):
        msg = h[src]                                   # gather source features
        agg = jax.ops.segment_sum(msg, dst, num_segments=N)
        deg = jax.ops.segment_sum(jnp.ones((E,), h.dtype), dst, num_segments=N)
        mean = agg / jnp.clip(deg, 1.0)[:, None]       # mean aggregation
        return mean @ Wl.T + bl + h @ Wr.T

    h = jax.nn.elu(sage(h, W1l, b1l, W1r))
    h = jax.nn.elu(sage(h, W2l, b2l, W2r))
    # global_max_pool over graph ids
    read_out = jax.ops.segment_max(h, batch, num_segments=G)
    read_out = jnp.where(jnp.isfinite(read_out), read_out, 0.0)  # guard empty segments
    rv = read_out @ Wc1.T + bc1
    out = rv @ Wc2.T + bc2
    return (out, rv)

if __name__ == "__main__":
    import jax
    _d = setup_inputs()
    print(jax.jit(kernel)(*tuple(_d.values())))

</pallas_src>

<mosaic_0001>
#map = affine_map<(d0, d1) -> (0, 0)>
#map1 = affine_map<(d0, d1) -> (0, 0, 0)>
#map2 = affine_map<(d0, d1) -> (0)>
module attributes {stable_mosaic.version = 14 : i64} {
  func.func @_sc_agg_body(%arg0: i32, %arg1: i32, %arg2: memref<10000x128xf32, #tpu.memory_space<hbm>>, %arg3: memref<64x39x128xi32, #tpu.memory_space<hbm>>, %arg4: memref<64x39x128xi32, #tpu.memory_space<hbm>>, %arg5: memref<320000xi32, #tpu.memory_space<hbm>>, %arg6: memref<320000xi32, #tpu.memory_space<hbm>>, %arg7: memref<2x10112x128xf32, #tpu.memory_space<hbm>>, %arg8: memref<39x128xi32, #tpu.memory_space<vmem>>, %arg9: memref<39x128xi32, #tpu.memory_space<vmem>>, %arg10: memref<128xi32, #tpu.memory_space<vmem>>, %arg11: memref<128xi32, #tpu.memory_space<vmem>>, %arg12: memref<128x128xf32, #tpu.memory_space<vmem>>, %arg13: memref<128x128xf32, #tpu.memory_space<vmem>>, %arg14: memref<10112x128xf32, #tpu.memory_space<vmem_shared>>, %arg15: memref<!tpu.dma_semaphore, #tpu.memory_space<semaphore_mem>>, %arg16: memref<!tpu.dma_semaphore, #tpu.memory_space<semaphore_mem>>) attributes {dimension_semantics = [#tpu.dimension_semantics<core_parallel>, #tpu.dimension_semantics<subcore_parallel>], iteration_bounds = array<i64: 2, 16>, scalar_prefetch = 0 : i64, scratch_operands = 9 : i64, tpu.core_type = #tpu.core_type<sc_vector_subcore>, window_params = [{transform_indices = #map}, {transform_indices = #map1}, {transform_indices = #map1}, {transform_indices = #map2}, {transform_indices = #map2}, {transform_indices = #map1}]} {
    %mul3A = arith.constant 2 : i32
    %mul3A_0 = arith.muli %arg1, %mul3A : i32
    %add3A = arith.addi %mul3A_0, %arg0 : i32
    %broadcast_in_dim3A = arith.constant 0.000000e+00 : f32
    %broadcast_in_dim3A_1 = vector.broadcast %broadcast_in_dim3A : f32 to vector<16xf32>
    %scan3A = arith.constant 0 : i32
    %scan3A_2 = arith.constant 0 : i32
    %scan3A_3 = arith.constant 1024 : i32
    %scan3A_4 = arith.addi %scan3A_2, %scan3A_3 : i32
    %scan3A_5 = arith.constant 1 : i32
    scf.for %scan3A_89 = %scan3A_2 to %scan3A_4 step %scan3A_5  : i32 {
      %div3A = arith.constant 8 : i32
      %div3A_90 = arith.divsi %scan3A_89, %div3A : i32
      %rem3A = arith.constant 8 : i32
      %rem3A_91 = arith.remsi %scan3A_89, %rem3A : i32
      %mul3A_92 = arith.constant 16 : i32
      %mul3A_93 = arith.muli %rem3A_91, %mul3A_92 : i32
      %swap3A = arith.index_cast %div3A_90 : i32 to index
      %swap3A_94 = arith.index_cast %mul3A_93 : i32 to index
      %swap3A_95 = tpu.vector_load %arg12[%swap3A, %swap3A_94] {strides = array<i32>} : memref<128x128xf32, #tpu.memory_space<vmem>>, vector<1x16xf32>,
      %swap3A_96 = vector.shape_cast %swap3A_95 : vector<1x16xf32> to vector<16xf32>
      %swap3A_97 = vector.shape_cast %broadcast_in_dim3A_1 : vector<16xf32> to vector<1x16xf32>
      tpu.vector_store %arg12[%swap3A, %swap3A_94], %swap3A_97 {strides = array<i32>} : memref<128x128xf32, #tpu.memory_space<vmem>>, vector<1x16xf32>,
    }
    %scan3A_6 = arith.constant 1024 : i32
    %scan3A_7 = arith.constant 0 : i32
    %scan3A_8 = arith.constant 0 : i32
    %scan3A_9 = arith.constant 8 : i32
    %scan3A_10 = arith.addi %scan3A_8, %scan3A_9 : i32
    %scan3A_11 = arith.constant 1 : i32
    scf.for %scan3A_89 = %scan3A_8 to %scan3A_10 step %scan3A_11  : i32 {
      %mul3A_90 = arith.constant 632 : i32
      %mul3A_91 = arith.muli %arg1, %mul3A_90 : i32
      %mul3A_92 = arith.constant 79 : i32
      %mul3A_93 = arith.muli %scan3A_89, %mul3A_92 : i32
      %add3A_94 = arith.addi %mul3A_91, %mul3A_93 : i32
      "tpu.region"() ({
        %run_scoped3A_95 = tpu.sem_alloc : memref<!tpu.dma_semaphore, #tpu.memory_space<semaphore_mem>>
        %dma_start3A_96 = arith.constant 0 : i32
        %dma_start3A_97 = arith.constant 0 : i32
        %dma_start3A_98 = tpu.memref_slice %arg12[%dma_start3A_96, %dma_start3A_97] : memref<128x128xf32, #tpu.memory_space<vmem>> -> memref<79x128xf32, #tpu.memory_space<vmem>>
        %dma_start3A_99 = arith.constant 0 : i32
        %dma_start3A_100 = tpu.memref_slice %arg14[%add3A_94, %dma_start3A_99] : memref<10112x128xf32, #tpu.memory_space<vmem_shared>> -> memref<79x128xf32, #tpu.memory_space<vmem_shared>>
        %dma_start3A_101 = arith.constant 0 : i32
        %dma_start3A_102 = tpu.memref_slice %arg14[%add3A_94, %dma_start3A_101] : memref<10112x128xf32, #tpu.memory_space<vmem_shared>> -> memref<79x128xf32, #tpu.memory_space<vmem_shared>>
        %dma_start3A_103 = arith.constant 0 : i32
        %dma_start3A_104 = arith.constant 0 : i32
        %dma_start3A_105 = tpu.memref_slice %arg12[%dma_start3A_103, %dma_start3A_104] : memref<128x128xf32, #tpu.memory_space<vmem>> -> memref<79x128xf32, #tpu.memory_space<vmem>>
        tpu.enqueue_dma source(%dma_start3A_105 : memref<79x128xf32, #tpu.memory_space<vmem>>) target(%dma_start3A_102 : memref<79x128xf32, #tpu.memory_space<vmem_shared>>) target_semaphore(%run_scoped3A_95 : memref<!tpu.dma_semaphore, #tpu.memory_space<semaphore_mem>>)
        %dma_wait3A_106 = arith.constant 0 : i32
        %dma_wait3A_107 = arith.constant 0 : i32
        %dma_wait3A_108 = tpu.memref_slice %arg12[%dma_wait3A_106, %dma_wait3A_107] : memref<128x128xf32, #tpu.memory_space<vmem>> -> memref<79x128xf32, #tpu.memory_space<vmem>>
        %dma_wait3A_109 = arith.constant 0 : i32
        %dma_wait3A_110 = tpu.memref_slice %arg14[%add3A_94, %dma_wait3A_109] : memref<10112x128xf32, #tpu.memory_space<vmem_shared>> -> memref<79x128xf32, #tpu.memory_space<vmem_shared>>
        %dma_wait3A_111 = arith.constant 0 : i32
        %dma_wait3A_112 = tpu.memref_slice %arg14[%add3A_94, %dma_wait3A_111] : memref<10112x128xf32, #tpu.memory_space<vmem_shared>> -> memref<79x128xf32, #tpu.memory_space<vmem_shared>>
        %dma_wait3A_113 = arith.constant 0 : i32
        %dma_wait3A_114 = arith.constant 0 : i32
        %dma_wait3A_115 = tpu.memref_slice %arg12[%dma_wait3A_113, %dma_wait3A_114] : memref<128x128xf32, #tpu.memory_space<vmem>> -> memref<79x128xf32, #tpu.memory_space<vmem>>
        tpu.wait_dma2 semaphore(%run_scoped3A_95 : memref<!tpu.dma_semaphore, #tpu.memory_space<semaphore_mem>>) src(%dma_wait3A_115 : memref<79x128xf32, #tpu.memory_space<vmem>>) dst(%dma_wait3A_112 : memref<79x128xf32, #tpu.memory_space<vmem_shared>>)
        tpu.yield
      }) : () -> ()
    }
    %scan3A_12 = arith.constant 8 : i32
    %barrier3A = arith.constant 0 : index
    tpu.barrier barrier_id(%barrier3A)
    %mul3A_13 = arith.constant 2 : i32
    %mul3A_14 = arith.muli %mul3A_13, %add3A : i32
    %add3A_15 = arith.constant 0 : i32
    %add3A_16 = arith.addi %mul3A_14, %add3A_15 : i32
    "tpu.region"() ({
      %run_scoped3A_89 = tpu.sem_alloc : memref<!tpu.dma_semaphore, #tpu.memory_space<semaphore_mem>>
      %dma_start3A_90 = arith.constant 0 : i32
      %dma_start3A_91 = arith.constant 0 : i32
      %dma_start3A_92 = tpu.memref_slice %arg3[%add3A_16, %dma_start3A_90, %dma_start3A_91] : memref<64x39x128xi32, #tpu.memory_space<hbm>> -> memref<1x39x128xi32, #tpu.memory_space<hbm>>
      %dma_start3A_93 = tpu.memref_squeeze %dma_start3A_92 : memref<1x39x128xi32, #tpu.memory_space<hbm>> -> memref<39x128xi32, #tpu.memory_space<hbm>>
      %dma_start3A_94 = arith.constant 0 : i32
      %dma_start3A_95 = arith.constant 0 : i32
      %dma_start3A_96 = tpu.memref_slice %arg3[%add3A_16, %dma_start3A_94, %dma_start3A_95] : memref<64x39x128xi32, #tpu.memory_space<hbm>> -> memref<1x39x128xi32, #tpu.memory_space<hbm>>
      %dma_start3A_97 = tpu.memref_squeeze %dma_start3A_96 : memref<1x39x128xi32, #tpu.memory_space<hbm>> -> memref<39x128xi32, #tpu.memory_space<hbm>>
      tpu.enqueue_dma source(%dma_start3A_97 : memref<39x128xi32, #tpu.memory_space<hbm>>) target(%arg8 : memref<39x128xi32, #tpu.memory_space<vmem>>) target_semaphore(%run_scoped3A_89 : memref<!tpu.dma_semaphore, #tpu.memory_space<semaphore_mem>>)
      %dma_wait3A_98 = arith.constant 0 : i32
      %dma_wait3A_99 = arith.constant 0 : i32
      %dma_wait3A_100 = tpu.memref_slice %arg3[%add3A_16, %dma_wait3A_98, %dma_wait3A_99] : memref<64x39x128xi32, #tpu.memory_space<hbm>> -> memref<1x39x128xi32, #tpu.memory_space<hbm>>
      %dma_wait3A_101 = tpu.memref_squeeze %dma_wait3A_100 : memref<1x39x128xi32, #tpu.memory_space<hbm>> -> memref<39x128xi32, #tpu.memory_space<hbm>>
      %dma_wait3A_102 = arith.constant 0 : i32
      %dma_wait3A_103 = arith.constant 0 : i32
      %dma_wait3A_104 = tpu.memref_slice %arg3[%add3A_16, %dma_wait3A_102, %dma_wait3A_103] : memref<64x39x128xi32, #tpu.memory_space<hbm>> -> memref<1x39x128xi32, #tpu.memory_space<hbm>>
      %dma_wait3A_105 = tpu.memref_squeeze %dma_wait3A_104 : memref<1x39x128xi32, #tpu.memory_space<hbm>> -> memref<39x128xi32, #tpu.memory_space<hbm>>
      tpu.wait_dma2 semaphore(%run_scoped3A_89 : memref<!tpu.dma_semaphore, #tpu.memory_space<semaphore_mem>>) src(%dma_wait3A_105 : memref<39x128xi32, #tpu.memory_space<hbm>>) dst(%arg8 : memref<39x128xi32, #tpu.memory_space<vmem>>)
      tpu.yield
    }) : () -> ()
    %mul3A_17 = arith.constant 2 : i32
    %mul3A_18 = arith.muli %mul3A_17, %add3A : i32
    %add3A_19 = arith.constant 0 : i32
    %add3A_20 = arith.addi %mul3A_18, %add3A_19 : i32
    "tpu.region"() ({
      %run_scoped3A_89 = tpu.sem_alloc : memref<!tpu.dma_semaphore, #tpu.memory_space<semaphore_mem>>
      %dma_start3A_90 = arith.constant 0 : i32
      %dma_start3A_91 = arith.constant 0 : i32
      %dma_start3A_92 = tpu.memref_slice %arg4[%add3A_20, %dma_start3A_90, %dma_start3A_91] : memref<64x39x128xi32, #tpu.memory_space<hbm>> -> memref<1x39x128xi32, #tpu.memory_space<hbm>>
      %dma_start3A_93 = tpu.memref_squeeze %dma_start3A_92 : memref<1x39x128xi32, #tpu.memory_space<hbm>> -> memref<39x128xi32, #tpu.memory_space<hbm>>
      %dma_start3A_94 = arith.constant 0 : i32
      %dma_start3A_95 = arith.constant 0 : i32
      %dma_start3A_96 = tpu.memref_slice %arg4[%add3A_20, %dma_start3A_94, %dma_start3A_95] : memref<64x39x128xi32, #tpu.memory_space<hbm>> -> memref<1x39x128xi32, #tpu.memory_space<hbm>>
      %dma_start3A_97 = tpu.memref_squeeze %dma_start3A_96 : memref<1x39x128xi32, #tpu.memory_space<hbm>> -> memref<39x128xi32, #tpu.memory_space<hbm>>
      tpu.enqueue_dma source(%dma_start3A_97 : memref<39x128xi32, #tpu.memory_space<hbm>>) target(%arg9 : memref<39x128xi32, #tpu.memory_space<vmem>>) target_semaphore(%run_scoped3A_89 : memref<!tpu.dma_semaphore, #tpu.memory_space<semaphore_mem>>)
      %dma_wait3A_98 = arith.constant 0 : i32
      %dma_wait3A_99 = arith.constant 0 : i32
      %dma_wait3A_100 = tpu.memref_slice %arg4[%add3A_20, %dma_wait3A_98, %dma_wait3A_99] : memref<64x39x128xi32, #tpu.memory_space<hbm>> -> memref<1x39x128xi32, #tpu.memory_space<hbm>>
      %dma_wait3A_101 = tpu.memref_squeeze %dma_wait3A_100 : memref<1x39x128xi32, #tpu.memory_space<hbm>> -> memref<39x128xi32, #tpu.memory_space<hbm>>
      %dma_wait3A_102 = arith.constant 0 : i32
      %dma_wait3A_103 = arith.constant 0 : i32
      %dma_wait3A_104 = tpu.memref_slice %arg4[%add3A_20, %dma_wait3A_102, %dma_wait3A_103] : memref<64x39x128xi32, #tpu.memory_space<hbm>> -> memref<1x39x128xi32, #tpu.memory_space<hbm>>
      %dma_wait3A_105 = tpu.memref_squeeze %dma_wait3A_104 : memref<1x39x128xi32, #tpu.memory_space<hbm>> -> memref<39x128xi32, #tpu.memory_space<hbm>>
      tpu.wait_dma2 semaphore(%run_scoped3A_89 : memref<!tpu.dma_semaphore, #tpu.memory_space<semaphore_mem>>) src(%dma_wait3A_105 : memref<39x128xi32, #tpu.memory_space<hbm>>) dst(%arg9 : memref<39x128xi32, #tpu.memory_space<vmem>>)
      tpu.yield
    }) : () -> ()
    %dma_start3A = arith.constant 0 : i32
    %dma_start3A_21 = arith.constant 0 : i32
    %dma_start3A_22 = tpu.memref_slice %arg8[%dma_start3A, %dma_start3A_21] : memref<39x128xi32, #tpu.memory_space<vmem>> -> memref<1x128xi32, #tpu.memory_space<vmem>>
    %dma_start3A_23 = tpu.memref_squeeze %dma_start3A_22 : memref<1x128xi32, #tpu.memory_space<vmem>> -> memref<128xi32, #tpu.memory_space<vmem>>
    %dma_start3A_24 = arith.constant 0 : i32
    %dma_start3A_25 = arith.constant 0 : i32
    %dma_start3A_26 = tpu.memref_slice %arg2[%dma_start3A_24, %dma_start3A_25] : memref<10000x128xf32, #tpu.memory_space<hbm>> -> memref<10000x128xf32, #tpu.memory_space<hbm>>
    tpu.enqueue_indirect_dma source(%dma_start3A_26 : memref<10000x128xf32, #tpu.memory_space<hbm>>) target(%arg12 : memref<128x128xf32, #tpu.memory_space<vmem>>) offsets(%dma_start3A_23 : memref<128xi32, #tpu.memory_space<vmem>>) semaphore(%arg15 : memref<!tpu.dma_semaphore, #tpu.memory_space<semaphore_mem>>)
    %dma_start3A_27 = arith.constant 1 : i32
    %dma_start3A_28 = arith.constant 0 : i32
    %dma_start3A_29 = tpu.memref_slice %arg8[%dma_start3A_27, %dma_start3A_28] : memref<39x128xi32, #tpu.memory_space<vmem>> -> memref<1x128xi32, #tpu.memory_space<vmem>>
    %dma_start3A_30 = tpu.memref_squeeze %dma_start3A_29 : memref<1x128xi32, #tpu.memory_space<vmem>> -> memref<128xi32, #tpu.memory_space<vmem>>
    %dma_start3A_31 = arith.constant 0 : i32
    %dma_start3A_32 = arith.constant 0 : i32
    %dma_start3A_33 = tpu.memref_slice %arg2[%dma_start3A_31, %dma_start3A_32] : memref<10000x128xf32, #tpu.memory_space<hbm>> -> memref<10000x128xf32, #tpu.memory_space<hbm>>
    tpu.enqueue_indirect_dma source(%dma_start3A_33 : memref<10000x128xf32, #tpu.memory_space<hbm>>) target(%arg13 : memref<128x128xf32, #tpu.memory_space<vmem>>) offsets(%dma_start3A_30 : memref<128xi32, #tpu.memory_space<vmem>>) semaphore(%arg16 : memref<!tpu.dma_semaphore, #tpu.memory_space<semaphore_mem>>)
    %scan3A_34 = arith.constant 0 : i32
    %scan3A_35 = arith.constant 0 : i32
    %scan3A_36 = arith.constant 19 : i32
    %scan3A_37 = arith.addi %scan3A_35, %scan3A_36 : i32
    %scan3A_38 = arith.constant 1 : i32
    scf.for %scan3A_89 = %scan3A_35 to %scan3A_37 step %scan3A_38  : i32 {
      %mul3A_90 = arith.constant 2 : i32
      %mul3A_91 = arith.muli %mul3A_90, %scan3A_89 : i32
      %dma_wait3A_92 = arith.constant 0 : i32
      %dma_wait3A_93 = tpu.memref_slice %arg8[%mul3A_91, %dma_wait3A_92] : memref<39x128xi32, #tpu.memory_space<vmem>> -> memref<1x128xi32, #tpu.memory_space<vmem>>
      %dma_wait3A_94 = tpu.memref_squeeze %dma_wait3A_93 : memref<1x128xi32, #tpu.memory_space<vmem>> -> memref<128xi32, #tpu.memory_space<vmem>>
      %dma_wait3A_95 = arith.constant 0 : i32
      %dma_wait3A_96 = arith.constant 0 : i32
      %dma_wait3A_97 = tpu.memref_slice %arg2[%dma_wait3A_95, %dma_wait3A_96] : memref<10000x128xf32, #tpu.memory_space<hbm>> -> memref<10000x128xf32, #tpu.memory_space<hbm>>
      tpu.wait_indirect_dma semaphore(%arg15 : memref<!tpu.dma_semaphore, #tpu.memory_space<semaphore_mem>>) src(%dma_wait3A_97 : memref<10000x128xf32, #tpu.memory_space<hbm>>) dst(%arg12 : memref<128x128xf32, #tpu.memory_space<vmem>>)
      "tpu.region"() ({
        %run_scoped3A_121 = tpu.sem_alloc : memref<!tpu.dma_semaphore, #tpu.memory_space<semaphore_mem>>
        %dma_start3A_122 = arith.constant 0 : i32
        %dma_start3A_123 = tpu.memref_slice %arg9[%mul3A_91, %dma_start3A_122] : memref<39x128xi32, #tpu.memory_space<vmem>> -> memref<1x128xi32, #tpu.memory_space<vmem>>
        %dma_start3A_124 = tpu.memref_squeeze %dma_start3A_123 : memref<1x128xi32, #tpu.memory_space<vmem>> -> memref<128xi32, #tpu.memory_space<vmem>>
        %dma_start3A_125 = arith.constant 0 : i32
        %dma_start3A_126 = arith.constant 0 : i32
        %dma_start3A_127 = tpu.memref_slice %arg14[%dma_start3A_125, %dma_start3A_126] : memref<10112x128xf32, #tpu.memory_space<vmem_shared>> -> memref<10112x128xf32, #tpu.memory_space<vmem_shared>>
        tpu.enqueue_indirect_dma source(%arg12 : memref<128x128xf32, #tpu.memory_space<vmem>>) target(%dma_start3A_127 : memref<10112x128xf32, #tpu.memory_space<vmem_shared>>) offsets(%dma_start3A_124 : memref<128xi32, #tpu.memory_space<vmem>>) semaphore(%run_scoped3A_121 : memref<!tpu.dma_semaphore, #tpu.memory_space<semaphore_mem>>) {add = true}
        %dma_wait3A_128 = arith.constant 0 : i32
        %dma_wait3A_129 = tpu.memref_slice %arg9[%mul3A_91, %dma_wait3A_128] : memref<39x128xi32, #tpu.memory_space<vmem>> -> memref<1x128xi32, #tpu.memory_space<vmem>>
        %dma_wait3A_130 = tpu.memref_squeeze %dma_wait3A_129 : memref<1x128xi32, #tpu.memory_space<vmem>> -> memref<128xi32, #tpu.memory_space<vmem>>
        %dma_wait3A_131 = arith.constant 0 : i32
        %dma_wait3A_132 = arith.constant 0 : i32
        %dma_wait3A_133 = tpu.memref_slice %arg14[%dma_wait3A_131, %dma_wait3A_132] : memref<10112x128xf32, #tpu.memory_space<vmem_shared>> -> memref<10112x128xf32, #tpu.memory_space<vmem_shared>>
        tpu.wait_indirect_dma semaphore(%run_scoped3A_121 : memref<!tpu.dma_semaphore, #tpu.memory_space<semaphore_mem>>) src(%arg12 : memref<128x128xf32, #tpu.memory_space<vmem>>) dst(%dma_wait3A_133 : memref<10112x128xf32, #tpu.memory_space<vmem_shared>>)
        tpu.yield
      }) : () -> ()
      %add3A_98 = arith.constant 2 : i32
      %add3A_99 = arith.addi %mul3A_91, %add3A_98 : i32
      %dma_start3A_100 = arith.constant 0 : i32
      %dma_start3A_101 = tpu.memref_slice %arg8[%add3A_99, %dma_start3A_100] : memref<39x128xi32, #tpu.memory_space<vmem>> -> memref<1x128xi32, #tpu.memory_space<vmem>>
      %dma_start3A_102 = tpu.memref_squeeze %dma_start3A_101 : memref<1x128xi32, #tpu.memory_space<vmem>> -> memref<128xi32, #tpu.memory_space<vmem>>
      %dma_start3A_103 = arith.constant 0 : i32
      %dma_start3A_104 = arith.constant 0 : i32
      %dma_start3A_105 = tpu.memref_slice %arg2[%dma_start3A_103, %dma_start3A_104] : memref<10000x128xf32, #tpu.memory_space<hbm>> -> memref<10000x128xf32, #tpu.memory_space<hbm>>
      tpu.enqueue_indirect_dma source(%dma_start3A_105 : memref<10000x128xf32, #tpu.memory_space<hbm>>) target(%arg12 : memref<128x128xf32, #tpu.memory_space<vmem>>) offsets(%dma_start3A_102 : memref<128xi32, #tpu.memory_space<vmem>>) semaphore(%arg15 : memref<!tpu.dma_semaphore, #tpu.memory_space<semaphore_mem>>)
      %add3A_106 = arith.constant 1 : i32
      %add3A_107 = arith.addi %mul3A_91, %add3A_106 : i32
      %dma_wait3A_108 = arith.constant 0 : i32
      %dma_wait3A_109 = tpu.memref_slice %arg8[%add3A_107, %dma_wait3A_108] : memref<39x128xi32, #tpu.memory_space<vmem>> -> memref<1x128xi32, #tpu.memory_space<vmem>>
      %dma_wait3A_110 = tpu.memref_squeeze %dma_wait3A_109 : memref<1x128xi32, #tpu.memory_space<vmem>> -> memref<128xi32, #tpu.memory_space<vmem>>
      %dma_wait3A_111 = arith.constant 0 : i32
      %dma_wait3A_112 = arith.constant 0 : i32
      %dma_wait3A_113 = tpu.memref_slice %arg2[%dma_wait3A_111, %dma_wait3A_112] : memref<10000x128xf32, #tpu.memory_space<hbm>> -> memref<10000x128xf32, #tpu.memory_space<hbm>>
      tpu.wait_indirect_dma semaphore(%arg16 : memref<!tpu.dma_semaphore, #tpu.memory_space<semaphore_mem>>) src(%dma_wait3A_113 : memref<10000x128xf32, #tpu.memory_space<hbm>>) dst(%arg13 : memref<128x128xf32, #tpu.memory_space<vmem>>)
      %add3A_114 = arith.constant 1 : i32
      %add3A_115 = arith.addi %mul3A_91, %add3A_114 : i32
      "tpu.region"() ({
        %run_scoped3A_121 = tpu.sem_alloc : memref<!tpu.dma_semaphore, #tpu.memory_space<semaphore_mem>>
        %dma_start3A_122 = arith.constant 0 : i32
        %dma_start3A_123 = tpu.memref_slice %arg9[%add3A_115, %dma_start3A_122] : memref<39x128xi32, #tpu.memory_space<vmem>> -> memref<1x128xi32, #tpu.memory_space<vmem>>
        %dma_start3A_124 = tpu.memref_squeeze %dma_start3A_123 : memref<1x128xi32, #tpu.memory_space<vmem>> -> memref<128xi32, #tpu.memory_space<vmem>>
        %dma_start3A_125 = arith.constant 0 : i32
        %dma_start3A_126 = arith.constant 0 : i32
        %dma_start3A_127 = tpu.memref_slice %arg14[%dma_start3A_125, %dma_start3A_126] : memref<10112x128xf32, #tpu.memory_space<vmem_shared>> -> memref<10112x128xf32, #tpu.memory_space<vmem_shared>>
        tpu.enqueue_indirect_dma source(%arg13 : memref<128x128xf32, #tpu.memory_space<vmem>>) target(%dma_start3A_127 : memref<10112x128xf32, #tpu.memory_space<vmem_shared>>) offsets(%dma_start3A_124 : memref<128xi32, #tpu.memory_space<vmem>>) semaphore(%run_scoped3A_121 : memref<!tpu.dma_semaphore, #tpu.memory_space<semaphore_mem>>) {add = true}
        %dma_wait3A_128 = arith.constant 0 : i32
        %dma_wait3A_129 = tpu.memref_slice %arg9[%add3A_115, %dma_wait3A_128] : memref<39x128xi32, #tpu.memory_space<vmem>> -> memref<1x128xi32, #tpu.memory_space<vmem>>
        %dma_wait3A_130 = tpu.memref_squeeze %dma_wait3A_129 : memref<1x128xi32, #tpu.memory_space<vmem>> -> memref<128xi32, #tpu.memory_space<vmem>>
        %dma_wait3A_131 = arith.constant 0 : i32
        %dma_wait3A_132 = arith.constant 0 : i32
        %dma_wait3A_133 = tpu.memref_slice %arg14[%dma_wait3A_131, %dma_wait3A_132] : memref<10112x128xf32, #tpu.memory_space<vmem_shared>> -> memref<10112x128xf32, #tpu.memory_space<vmem_shared>>
        tpu.wait_indirect_dma semaphore(%run_scoped3A_121 : memref<!tpu.dma_semaphore, #tpu.memory_space<semaphore_mem>>) src(%arg13 : memref<128x128xf32, #tpu.memory_space<vmem>>) dst(%dma_wait3A_133 : memref<10112x128xf32, #tpu.memory_space<vmem_shared>>)
        tpu.yield
      }) : () -> ()
      %lt3A_116 = arith.constant 18 : i32
      %lt3A_117 = arith.cmpi slt, %scan3A_89, %lt3A_116 : i32
      %convert_element_type3A_118 = arith.extui %lt3A_117 : i1 to i32
      %cond3A_119 = arith.constant 0 : i32
      %cond3A_120 = arith.cmpi ne, %convert_element_type3A_118, %cond3A_119 : i32
      scf.if %cond3A_120 {
        %add3A_121 = arith.constant 3 : i32
        %add3A_122 = arith.addi %mul3A_91, %add3A_121 : i32
        %dma_start3A_123 = arith.constant 0 : i32
        %dma_start3A_124 = tpu.memref_slice %arg8[%add3A_122, %dma_start3A_123] : memref<39x128xi32, #tpu.memory_space<vmem>> -> memref<1x128xi32, #tpu.memory_space<vmem>>
        %dma_start3A_125 = tpu.memref_squeeze %dma_start3A_124 : memref<1x128xi32, #tpu.memory_space<vmem>> -> memref<128xi32, #tpu.memory_space<vmem>>
        %dma_start3A_126 = arith.constant 0 : i32
        %dma_start3A_127 = arith.constant 0 : i32
        %dma_start3A_128 = tpu.memref_slice %arg2[%dma_start3A_126, %dma_start3A_127] : memref<10000x128xf32, #tpu.memory_space<hbm>> -> memref<10000x128xf32, #tpu.memory_space<hbm>>
        tpu.enqueue_indirect_dma source(%dma_start3A_128 : memref<10000x128xf32, #tpu.memory_space<hbm>>) target(%arg13 : memref<128x128xf32, #tpu.memory_space<vmem>>) offsets(%dma_start3A_125 : memref<128xi32, #tpu.memory_space<vmem>>) semaphore(%arg16 : memref<!tpu.dma_semaphore, #tpu.memory_space<semaphore_mem>>)
      } else {
      }
    }
    %scan3A_39 = arith.constant 19 : i32
    %dma_wait3A = arith.constant 38 : i32
    %dma_wait3A_40 = arith.constant 0 : i32
    %dma_wait3A_41 = tpu.memref_slice %arg8[%dma_wait3A, %dma_wait3A_40] : memref<39x128xi32, #tpu.memory_space<vmem>> -> memref<1x128xi32, #tpu.memory_space<vmem>>
    %dma_wait3A_42 = tpu.memref_squeeze %dma_wait3A_41 : memref<1x128xi32, #tpu.memory_space<vmem>> -> memref<128xi32, #tpu.memory_space<vmem>>
    %dma_wait3A_43 = arith.constant 0 : i32
    %dma_wait3A_44 = arith.constant 0 : i32
    %dma_wait3A_45 = tpu.memref_slice %arg2[%dma_wait3A_43, %dma_wait3A_44] : memref<10000x128xf32, #tpu.memory_space<hbm>> -> memref<10000x128xf32, #tpu.memory_space<hbm>>
    tpu.wait_indirect_dma semaphore(%arg15 : memref<!tpu.dma_semaphore, #tpu.memory_space<semaphore_mem>>) src(%dma_wait3A_45 : memref<10000x128xf32, #tpu.memory_space<hbm>>) dst(%arg12 : memref<128x128xf32, #tpu.memory_space<vmem>>)
    %run_scoped3A = arith.constant 38 : i32
    "tpu.region"() ({
      %run_scoped3A_89 = tpu.sem_alloc : memref<!tpu.dma_semaphore, #tpu.memory_space<semaphore_mem>>
      %dma_start3A_90 = arith.constant 0 : i32
      %dma_start3A_91 = tpu.memref_slice %arg9[%run_scoped3A, %dma_start3A_90] : memref<39x128xi32, #tpu.memory_space<vmem>> -> memref<1x128xi32, #tpu.memory_space<vmem>>
      %dma_start3A_92 = tpu.memref_squeeze %dma_start3A_91 : memref<1x128xi32, #tpu.memory_space<vmem>> -> memref<128xi32, #tpu.memory_space<vmem>>
      %dma_start3A_93 = arith.constant 0 : i32
      %dma_start3A_94 = arith.constant 0 : i32
      %dma_start3A_95 = tpu.memref_slice %arg14[%dma_start3A_93, %dma_start3A_94] : memref<10112x128xf32, #tpu.memory_space<vmem_shared>> -> memref<10112x128xf32, #tpu.memory_space<vmem_shared>>
      tpu.enqueue_indirect_dma source(%arg12 : memref<128x128xf32, #tpu.memory_space<vmem>>) target(%dma_start3A_95 : memref<10112x128xf32, #tpu.memory_space<vmem_shared>>) offsets(%dma_start3A_92 : memref<128xi32, #tpu.memory_space<vmem>>) semaphore(%run_scoped3A_89 : memref<!tpu.dma_semaphore, #tpu.memory_space<semaphore_mem>>) {add = true}
      %dma_wait3A_96 = arith.constant 0 : i32
      %dma_wait3A_97 = tpu.memref_slice %arg9[%run_scoped3A, %dma_wait3A_96] : memref<39x128xi32, #tpu.memory_space<vmem>> -> memref<1x128xi32, #tpu.memory_space<vmem>>
      %dma_wait3A_98 = tpu.memref_squeeze %dma_wait3A_97 : memref<1x128xi32, #tpu.memory_space<vmem>> -> memref<128xi32, #tpu.memory_space<vmem>>
      %dma_wait3A_99 = arith.constant 0 : i32
      %dma_wait3A_100 = arith.constant 0 : i32
      %dma_wait3A_101 = tpu.memref_slice %arg14[%dma_wait3A_99, %dma_wait3A_100] : memref<10112x128xf32, #tpu.memory_space<vmem_shared>> -> memref<10112x128xf32, #tpu.memory_space<vmem_shared>>
      tpu.wait_indirect_dma semaphore(%run_scoped3A_89 : memref<!tpu.dma_semaphore, #tpu.memory_space<semaphore_mem>>) src(%arg12 : memref<128x128xf32, #tpu.memory_space<vmem>>) dst(%dma_wait3A_101 : memref<10112x128xf32, #tpu.memory_space<vmem_shared>>)
      tpu.yield
    }) : () -> ()
    %mul3A_46 = arith.constant 2 : i32
    %mul3A_47 = arith.muli %mul3A_46, %add3A : i32
    %add3A_48 = arith.constant 1 : i32
    %add3A_49 = arith.addi %mul3A_47, %add3A_48 : i32
    "tpu.region"() ({
      %run_scoped3A_89 = tpu.sem_alloc : memref<!tpu.dma_semaphore, #tpu.memory_space<semaphore_mem>>
      %dma_start3A_90 = arith.constant 0 : i32
      %dma_start3A_91 = arith.constant 0 : i32
      %dma_start3A_92 = tpu.memref_slice %arg3[%add3A_49, %dma_start3A_90, %dma_start3A_91] : memref<64x39x128xi32, #tpu.memory_space<hbm>> -> memref<1x39x128xi32, #tpu.memory_space<hbm>>
      %dma_start3A_93 = tpu.memref_squeeze %dma_start3A_92 : memref<1x39x128xi32, #tpu.memory_space<hbm>> -> memref<39x128xi32, #tpu.memory_space<hbm>>
      %dma_start3A_94 = arith.constant 0 : i32
      %dma_start3A_95 = arith.constant 0 : i32
      %dma_start3A_96 = tpu.memref_slice %arg3[%add3A_49, %dma_start3A_94, %dma_start3A_95] : memref<64x39x128xi32, #tpu.memory_space<hbm>> -> memref<1x39x128xi32, #tpu.memory_space<hbm>>
      %dma_start3A_97 = tpu.memref_squeeze %dma_start3A_96 : memref<1x39x128xi32, #tpu.memory_space<hbm>> -> memref<39x128xi32, #tpu.memory_space<hbm>>
      tpu.enqueue_dma source(%dma_start3A_97 : memref<39x128xi32, #tpu.memory_space<hbm>>) target(%arg8 : memref<39x128xi32, #tpu.memory_space<vmem>>) target_semaphore(%run_scoped3A_89 : memref<!tpu.dma_semaphore, #tpu.memory_space<semaphore_mem>>)
      %dma_wait3A_98 = arith.constant 0 : i32
      %dma_wait3A_99 = arith.constant 0 : i32
      %dma_wait3A_100 = tpu.memref_slice %arg3[%add3A_49, %dma_wait3A_98, %dma_wait3A_99] : memref<64x39x128xi32, #tpu.memory_space<hbm>> -> memref<1x39x128xi32, #tpu.memory_space<hbm>>
      %dma_wait3A_101 = tpu.memref_squeeze %dma_wait3A_100 : memref<1x39x128xi32, #tpu.memory_space<hbm>> -> memref<39x128xi32, #tpu.memory_space<hbm>>
      %dma_wait3A_102 = arith.constant 0 : i32
      %dma_wait3A_103 = arith.constant 0 : i32
      %dma_wait3A_104 = tpu.memref_slice %arg3[%add3A_49, %dma_wait3A_102, %dma_wait3A_103] : memref<64x39x128xi32, #tpu.memory_space<hbm>> -> memref<1x39x128xi32, #tpu.memory_space<hbm>>
      %dma_wait3A_105 = tpu.memref_squeeze %dma_wait3A_104 : memref<1x39x128xi32, #tpu.memory_space<hbm>> -> memref<39x128xi32, #tpu.memory_space<hbm>>
      tpu.wait_dma2 semaphore(%run_scoped3A_89 : memref<!tpu.dma_semaphore, #tpu.memory_space<semaphore_mem>>) src(%dma_wait3A_105 : memref<39x128xi32, #tpu.memory_space<hbm>>) dst(%arg8 : memref<39x128xi32, #tpu.memory_space<vmem>>)
      tpu.yield
    }) : () -> ()
    %mul3A_50 = arith.constant 2 : i32
    %mul3A_51 = arith.muli %mul3A_50, %add3A : i32
    %add3A_52 = arith.constant 1 : i32
    %add3A_53 = arith.addi %mul3A_51, %add3A_52 : i32
    "tpu.region"() ({
      %run_scoped3A_89 = tpu.sem_alloc : memref<!tpu.dma_semaphore, #tpu.memory_space<semaphore_mem>>
      %dma_start3A_90 = arith.constant 0 : i32
      %dma_start3A_91 = arith.constant 0 : i32
      %dma_start3A_92 = tpu.memref_slice %arg4[%add3A_53, %dma_start3A_90, %dma_start3A_91] : memref<64x39x128xi32, #tpu.memory_space<hbm>> -> memref<1x39x128xi32, #tpu.memory_space<hbm>>
      %dma_start3A_93 = tpu.memref_squeeze %dma_start3A_92 : memref<1x39x128xi32, #tpu.memory_space<hbm>> -> memref<39x128xi32, #tpu.memory_space<hbm>>
      %dma_start3A_94 = arith.constant 0 : i32
      %dma_start3A_95 = arith.constant 0 : i32
      %dma_start3A_96 = tpu.memref_slice %arg4[%add3A_53, %dma_start3A_94, %dma_start3A_95] : memref<64x39x128xi32, #tpu.memory_space<hbm>> -> memref<1x39x128xi32, #tpu.memory_space<hbm>>
      %dma_start3A_97 = tpu.memref_squeeze %dma_start3A_96 : memref<1x39x128xi32, #tpu.memory_space<hbm>> -> memref<39x128xi32, #tpu.memory_space<hbm>>
      tpu.enqueue_dma source(%dma_start3A_97 : memref<39x128xi32, #tpu.memory_space<hbm>>) target(%arg9 : memref<39x128xi32, #tpu.memory_space<vmem>>) target_semaphore(%run_scoped3A_89 : memref<!tpu.dma_semaphore, #tpu.memory_space<semaphore_mem>>)
      %dma_wait3A_98 = arith.constant 0 : i32
      %dma_wait3A_99 = arith.constant 0 : i32
      %dma_wait3A_100 = tpu.memref_slice %arg4[%add3A_53, %dma_wait3A_98, %dma_wait3A_99] : memref<64x39x128xi32, #tpu.memory_space<hbm>> -> memref<1x39x128xi32, #tpu.memory_space<hbm>>
      %dma_wait3A_101 = tpu.memref_squeeze %dma_wait3A_100 : memref<1x39x128xi32, #tpu.memory_space<hbm>> -> memref<39x128xi32, #tpu.memory_space<hbm>>
      %dma_wait3A_102 = arith.constant 0 : i32
      %dma_wait3A_103 = arith.constant 0 : i32
      %dma_wait3A_104 = tpu.memref_slice %arg4[%add3A_53, %dma_wait3A_102, %dma_wait3A_103] : memref<64x39x128xi32, #tpu.memory_space<hbm>> -> memref<1x39x128xi32, #tpu.memory_space<hbm>>
      %dma_wait3A_105 = tpu.memref_squeeze %dma_wait3A_104 : memref<1x39x128xi32, #tpu.memory_space<hbm>> -> memref<39x128xi32, #tpu.memory_space<hbm>>
      tpu.wait_dma2 semaphore(%run_scoped3A_89 : memref<!tpu.dma_semaphore, #tpu.memory_space<semaphore_mem>>) src(%dma_wait3A_105 : memref<39x128xi32, #tpu.memory_space<hbm>>) dst(%arg9 : memref<39x128xi32, #tpu.memory_space<vmem>>)
      tpu.yield
    }) : () -> ()
    %dma_start3A_54 = arith.constant 0 : i32
    %dma_start3A_55 = arith.constant 0 : i32
    %dma_start3A_56 = tpu.memref_slice %arg8[%dma_start3A_54, %dma_start3A_55] : memref<39x128xi32, #tpu.memory_space<vmem>> -> memref<1x128xi32, #tpu.memory_space<vmem>>
    %dma_start3A_57 = tpu.memref_squeeze %dma_start3A_56 : memref<1x128xi32, #tpu.memory_space<vmem>> -> memref<128xi32, #tpu.memory_space<vmem>>
    %dma_start3A_58 = arith.constant 0 : i32
    %dma_start3A_59 = arith.constant 0 : i32
    %dma_start3A_60 = tpu.memref_slice %arg2[%dma_start3A_58, %dma_start3A_59] : memref<10000x128xf32, #tpu.memory_space<hbm>> -> memref<10000x128xf32, #tpu.memory_space<hbm>>
    tpu.enqueue_indirect_dma source(%dma_start3A_60 : memref<10000x128xf32, #tpu.memory_space<hbm>>) target(%arg12 : memref<128x128xf32, #tpu.memory_space<vmem>>) offsets(%dma_start3A_57 : memref<128xi32, #tpu.memory_space<vmem>>) semaphore(%arg15 : memref<!tpu.dma_semaphore, #tpu.memory_space<semaphore_mem>>)
    %dma_start3A_61 = arith.constant 1 : i32
    %dma_start3A_62 = arith.constant 0 : i32
    %dma_start3A_63 = tpu.memref_slice %arg8[%dma_start3A_61, %dma_start3A_62] : memref<39x128xi32, #tpu.memory_space<vmem>> -> memref<1x128xi32, #tpu.memory_space<vmem>>
    %dma_start3A_64 = tpu.memref_squeeze %dma_start3A_63 : memref<1x128xi32, #tpu.memory_space<vmem>> -> memref<128xi32, #tpu.memory_space<vmem>>
    %dma_start3A_65 = arith.constant 0 : i32
    %dma_start3A_66 = arith.constant 0 : i32
    %dma_start3A_67 = tpu.memref_slice %arg2[%dma_start3A_65, %dma_start3A_66] : memref<10000x128xf32, #tpu.memory_space<hbm>> -> memref<10000x128xf32, #tpu.memory_space<hbm>>
    tpu.enqueue_indirect_dma source(%dma_start3A_67 : memref<10000x128xf32, #tpu.memory_space<hbm>>) target(%arg13 : memref<128x128xf32, #tpu.memory_space<vmem>>) offsets(%dma_start3A_64 : memref<128xi32, #tpu.memory_space<vmem>>) semaphore(%arg16 : memref<!tpu.dma_semaphore, #tpu.memory_space<semaphore_mem>>)
    %scan3A_68 = arith.constant 0 : i32
    %scan3A_69 = arith.constant 0 : i32
    %scan3A_70 = arith.constant 19 : i32
    %scan3A_71 = arith.addi %scan3A_69, %scan3A_70 : i32
    %scan3A_72 = arith.constant 1 : i32
    scf.for %scan3A_89 = %scan3A_69 to %scan3A_71 step %scan3A_72  : i32 {
      %mul3A_90 = arith.constant 2 : i32
      %mul3A_91 = arith.muli %mul3A_90, %scan3A_89 : i32
      %dma_wait3A_92 = arith.constant 0 : i32
      %dma_wait3A_93 = tpu.memref_slice %arg8[%mul3A_91, %dma_wait3A_92] : memref<39x128xi32, #tpu.memory_space<vmem>> -> memref<1x128xi32, #tpu.memory_space<vmem>>
      %dma_wait3A_94 = tpu.memref_squeeze %dma_wait3A_93 : memref<1x128xi32, #tpu.memory_space<vmem>> -> memref<128xi32, #tpu.memory_space<vmem>>
      %dma_wait3A_95 = arith.constant 0 : i32
      %dma_wait3A_96 = arith.constant 0 : i32
      %dma_wait3A_97 = tpu.memref_slice %arg2[%dma_wait3A_95, %dma_wait3A_96] : memref<10000x128xf32, #tpu.memory_space<hbm>> -> memref<10000x128xf32, #tpu.memory_space<hbm>>
      tpu.wait_indirect_dma semaphore(%arg15 : memref<!tpu.dma_semaphore, #tpu.memory_space<semaphore_mem>>) src(%dma_wait3A_97 : memref<10000x128xf32, #tpu.memory_space<hbm>>) dst(%arg12 : memref<128x128xf32, #tpu.memory_space<vmem>>)
      "tpu.region"() ({
        %run_scoped3A_121 = tpu.sem_alloc : memref<!tpu.dma_semaphore, #tpu.memory_space<semaphore_mem>>
        %dma_start3A_122 = arith.constant 0 : i32
        %dma_start3A_123 = tpu.memref_slice %arg9[%mul3A_91, %dma_start3A_122] : memref<39x128xi32, #tpu.memory_space<vmem>> -> memref<1x128xi32, #tpu.memory_space<vmem>>
        %dma_start3A_124 = tpu.memref_squeeze %dma_start3A_123 : memref<1x128xi32, #tpu.memory_space<vmem>> -> memref<128xi32, #tpu.memory_space<vmem>>
        %dma_start3A_125 = arith.constant 0 : i32
        %dma_start3A_126 = arith.constant 0 : i32
        %dma_start3A_127 = tpu.memref_slice %arg14[%dma_start3A_125, %dma_start3A_126] : memref<10112x128xf32, #tpu.memory_space<vmem_shared>> -> memref<10112x128xf32, #tpu.memory_space<vmem_shared>>
        tpu.enqueue_indirect_dma source(%arg12 : memref<128x128xf32, #tpu.memory_space<vmem>>) target(%dma_start3A_127 : memref<10112x128xf32, #tpu.memory_space<vmem_shared>>) offsets(%dma_start3A_124 : memref<128xi32, #tpu.memory_space<vmem>>) semaphore(%run_scoped3A_121 : memref<!tpu.dma_semaphore, #tpu.memory_space<semaphore_mem>>) {add = true}
        %dma_wait3A_128 = arith.constant 0 : i32
        %dma_wait3A_129 = tpu.memref_slice %arg9[%mul3A_91, %dma_wait3A_128] : memref<39x128xi32, #tpu.memory_space<vmem>> -> memref<1x128xi32, #tpu.memory_space<vmem>>
        %dma_wait3A_130 = tpu.memref_squeeze %dma_wait3A_129 : memref<1x128xi32, #tpu.memory_space<vmem>> -> memref<128xi32, #tpu.memory_space<vmem>>
        %dma_wait3A_131 = arith.constant 0 : i32
        %dma_wait3A_132 = arith.constant 0 : i32
        %dma_wait3A_133 = tpu.memref_slice %arg14[%dma_wait3A_131, %dma_wait3A_132] : memref<10112x128xf32, #tpu.memory_space<vmem_shared>> -> memref<10112x128xf32, #tpu.memory_space<vmem_shared>>
        tpu.wait_indirect_dma semaphore(%run_scoped3A_121 : memref<!tpu.dma_semaphore, #tpu.memory_space<semaphore_mem>>) src(%arg12 : memref<128x128xf32, #tpu.memory_space<vmem>>) dst(%dma_wait3A_133 : memref<10112x128xf32, #tpu.memory_space<vmem_shared>>)
        tpu.yield
      }) : () -> ()
      %add3A_98 = arith.constant 2 : i32
      %add3A_99 = arith.addi %mul3A_91, %add3A_98 : i32
      %dma_start3A_100 = arith.constant 0 : i32
      %dma_start3A_101 = tpu.memref_slice %arg8[%add3A_99, %dma_start3A_100] : memref<39x128xi32, #tpu.memory_space<vmem>> -> memref<1x128xi32, #tpu.memory_space<vmem>>
      %dma_start3A_102 = tpu.memref_squeeze %dma_start3A_101 : memref<1x128xi32, #tpu.memory_space<vmem>> -> memref<128xi32, #tpu.memory_space<vmem>>
      %dma_start3A_103 = arith.constant 0 : i32
      %dma_start3A_104 = arith.constant 0 : i32
      %dma_start3A_105 = tpu.memref_slice %arg2[%dma_start3A_103, %dma_start3A_104] : memref<10000x128xf32, #tpu.memory_space<hbm>> -> memref<10000x128xf32, #tpu.memory_space<hbm>>
      tpu.enqueue_indirect_dma source(%dma_start3A_105 : memref<10000x128xf32, #tpu.memory_space<hbm>>) target(%arg12 : memref<128x128xf32, #tpu.memory_space<vmem>>) offsets(%dma_start3A_102 : memref<128xi32, #tpu.memory_space<vmem>>) semaphore(%arg15 : memref<!tpu.dma_semaphore, #tpu.memory_space<semaphore_mem>>)
      %add3A_106 = arith.constant 1 : i32
      %add3A_107 = arith.addi %mul3A_91, %add3A_106 : i32
      %dma_wait3A_108 = arith.constant 0 : i32
      %dma_wait3A_109 = tpu.memref_slice %arg8[%add3A_107, %dma_wait3A_108] : memref<39x128xi32, #tpu.memory_space<vmem>> -> memref<1x128xi32, #tpu.memory_space<vmem>>
      %dma_wait3A_110 = tpu.memref_squeeze %dma_wait3A_109 : memref<1x128xi32, #tpu.memory_space<vmem>> -> memref<128xi32, #tpu.memory_space<vmem>>
      %dma_wait3A_111 = arith.constant 0 : i32
      %dma_wait3A_112 = arith.constant 0 : i32
      %dma_wait3A_113 = tpu.memref_slice %arg2[%dma_wait3A_111, %dma_wait3A_112] : memref<10000x128xf32, #tpu.memory_space<hbm>> -> memref<10000x128xf32, #tpu.memory_space<hbm>>
      tpu.wait_indirect_dma semaphore(%arg16 : memref<!tpu.dma_semaphore, #tpu.memory_space<semaphore_mem>>) src(%dma_wait3A_113 : memref<10000x128xf32, #tpu.memory_space<hbm>>) dst(%arg13 : memref<128x128xf32, #tpu.memory_space<vmem>>)
      %add3A_114 = arith.constant 1 : i32
      %add3A_115 = arith.addi %mul3A_91, %add3A_114 : i32
      "tpu.region"() ({
        %run_scoped3A_121 = tpu.sem_alloc : memref<!tpu.dma_semaphore, #tpu.memory_space<semaphore_mem>>
        %dma_start3A_122 = arith.constant 0 : i32
        %dma_start3A_123 = tpu.memref_slice %arg9[%add3A_115, %dma_start3A_122] : memref<39x128xi32, #tpu.memory_space<vmem>> -> memref<1x128xi32, #tpu.memory_space<vmem>>
        %dma_start3A_124 = tpu.memref_squeeze %dma_start3A_123 : memref<1x128xi32, #tpu.memory_space<vmem>> -> memref<128xi32, #tpu.memory_space<vmem>>
        %dma_start3A_125 = arith.constant 0 : i32
        %dma_start3A_126 = arith.constant 0 : i32
        %dma_start3A_127 = tpu.memref_slice %arg14[%dma_start3A_125, %dma_start3A_126] : memref<10112x128xf32, #tpu.memory_space<vmem_shared>> -> memref<10112x128xf32, #tpu.memory_space<vmem_shared>>
        tpu.enqueue_indirect_dma source(%arg13 : memref<128x128xf32, #tpu.memory_space<vmem>>) target(%dma_start3A_127 : memref<10112x128xf32, #tpu.memory_space<vmem_shared>>) offsets(%dma_start3A_124 : memref<128xi32, #tpu.memory_space<vmem>>) semaphore(%run_scoped3A_121 : memref<!tpu.dma_semaphore, #tpu.memory_space<semaphore_mem>>) {add = true}
        %dma_wait3A_128 = arith.constant 0 : i32
        %dma_wait3A_129 = tpu.memref_slice %arg9[%add3A_115, %dma_wait3A_128] : memref<39x128xi32, #tpu.memory_space<vmem>> -> memref<1x128xi32, #tpu.memory_space<vmem>>
        %dma_wait3A_130 = tpu.memref_squeeze %dma_wait3A_129 : memref<1x128xi32, #tpu.memory_space<vmem>> -> memref<128xi32, #tpu.memory_space<vmem>>
        %dma_wait3A_131 = arith.constant 0 : i32
        %dma_wait3A_132 = arith.constant 0 : i32
        %dma_wait3A_133 = tpu.memref_slice %arg14[%dma_wait3A_131, %dma_wait3A_132] : memref<10112x128xf32, #tpu.memory_space<vmem_shared>> -> memref<10112x128xf32, #tpu.memory_space<vmem_shared>>
        tpu.wait_indirect_dma semaphore(%run_scoped3A_121 : memref<!tpu.dma_semaphore, #tpu.memory_space<semaphore_mem>>) src(%arg13 : memref<128x128xf32, #tpu.memory_space<vmem>>) dst(%dma_wait3A_133 : memref<10112x128xf32, #tpu.memory_space<vmem_shared>>)
        tpu.yield
      }) : () -> ()
      %lt3A_116 = arith.constant 18 : i32
      %lt3A_117 = arith.cmpi slt, %scan3A_89, %lt3A_116 : i32
      %convert_element_type3A_118 = arith.extui %lt3A_117 : i1 to i32
      %cond3A_119 = arith.constant 0 : i32
      %cond3A_120 = arith.cmpi ne, %convert_element_type3A_118, %cond3A_119 : i32
      scf.if %cond3A_120 {
        %add3A_121 = arith.constant 3 : i32
        %add3A_122 = arith.addi %mul3A_91, %add3A_121 : i32
        %dma_start3A_123 = arith.constant 0 : i32
        %dma_start3A_124 = tpu.memref_slice %arg8[%add3A_122, %dma_start3A_123] : memref<39x128xi32, #tpu.memory_space<vmem>> -> memref<1x128xi32, #tpu.memory_space<vmem>>
        %dma_start3A_125 = tpu.memref_squeeze %dma_start3A_124 : memref<1x128xi32, #tpu.memory_space<vmem>> -> memref<128xi32, #tpu.memory_space<vmem>>
        %dma_start3A_126 = arith.constant 0 : i32
        %dma_start3A_127 = arith.constant 0 : i32
        %dma_start3A_128 = tpu.memref_slice %arg2[%dma_start3A_126, %dma_start3A_127] : memref<10000x128xf32, #tpu.memory_space<hbm>> -> memref<10000x128xf32, #tpu.memory_space<hbm>>
        tpu.enqueue_indirect_dma source(%dma_start3A_128 : memref<10000x128xf32, #tpu.memory_space<hbm>>) target(%arg13 : memref<128x128xf32, #tpu.memory_space<vmem>>) offsets(%dma_start3A_125 : memref<128xi32, #tpu.memory_space<vmem>>) semaphore(%arg16 : memref<!tpu.dma_semaphore, #tpu.memory_space<semaphore_mem>>)
      } else {
      }
    }
    %scan3A_73 = arith.constant 19 : i32
    %dma_wait3A_74 = arith.constant 38 : i32
    %dma_wait3A_75 = arith.constant 0 : i32
    %dma_wait3A_76 = tpu.memref_slice %arg8[%dma_wait3A_74, %dma_wait3A_75] : memref<39x128xi32, #tpu.memory_space<vmem>> -> memref<1x128xi32, #tpu.memory_space<vmem>>
    %dma_wait3A_77 = tpu.memref_squeeze %dma_wait3A_76 : memref<1x128xi32, #tpu.memory_space<vmem>> -> memref<128xi32, #tpu.memory_space<vmem>>
    %dma_wait3A_78 = arith.constant 0 : i32
    %dma_wait3A_79 = arith.constant 0 : i32
    %dma_wait3A_80 = tpu.memref_slice %arg2[%dma_wait3A_78, %dma_wait3A_79] : memref<10000x128xf32, #tpu.memory_space<hbm>> -> memref<10000x128xf32, #tpu.memory_space<hbm>>
    tpu.wait_indirect_dma semaphore(%arg15 : memref<!tpu.dma_semaphore, #tpu.memory_space<semaphore_mem>>) src(%dma_wait3A_80 : memref<10000x128xf32, #tpu.memory_space<hbm>>) dst(%arg12 : memref<128x128xf32, #tpu.memory_space<vmem>>)
    %run_scoped3A_81 = arith.constant 38 : i32
    "tpu.region"() ({
      %run_scoped3A_89 = tpu.sem_alloc : memref<!tpu.dma_semaphore, #tpu.memory_space<semaphore_mem>>
      %dma_start3A_90 = arith.constant 0 : i32
      %dma_start3A_91 = tpu.memref_slice %arg9[%run_scoped3A_81, %dma_start3A_90] : memref<39x128xi32, #tpu.memory_space<vmem>> -> memref<1x128xi32, #tpu.memory_space<vmem>>
      %dma_start3A_92 = tpu.memref_squeeze %dma_start3A_91 : memref<1x128xi32, #tpu.memory_space<vmem>> -> memref<128xi32, #tpu.memory_space<vmem>>
      %dma_start3A_93 = arith.constant 0 : i32
      %dma_start3A_94 = arith.constant 0 : i32
      %dma_start3A_95 = tpu.memref_slice %arg14[%dma_start3A_93, %dma_start3A_94] : memref<10112x128xf32, #tpu.memory_space<vmem_shared>> -> memref<10112x128xf32, #tpu.memory_space<vmem_shared>>
      tpu.enqueue_indirect_dma source(%arg12 : memref<128x128xf32, #tpu.memory_space<vmem>>) target(%dma_start3A_95 : memref<10112x128xf32, #tpu.memory_space<vmem_shared>>) offsets(%dma_start3A_92 : memref<128xi32, #tpu.memory_space<vmem>>) semaphore(%run_scoped3A_89 : memref<!tpu.dma_semaphore, #tpu.memory_space<semaphore_mem>>) {add = true}
      %dma_wait3A_96 = arith.constant 0 : i32
      %dma_wait3A_97 = tpu.memref_slice %arg9[%run_scoped3A_81, %dma_wait3A_96] : memref<39x128xi32, #tpu.memory_space<vmem>> -> memref<1x128xi32, #tpu.memory_space<vmem>>
      %dma_wait3A_98 = tpu.memref_squeeze %dma_wait3A_97 : memref<1x128xi32, #tpu.memory_space<vmem>> -> memref<128xi32, #tpu.memory_space<vmem>>
      %dma_wait3A_99 = arith.constant 0 : i32
      %dma_wait3A_100 = arith.constant 0 : i32
      %dma_wait3A_101 = tpu.memref_slice %arg14[%dma_wait3A_99, %dma_wait3A_100] : memref<10112x128xf32, #tpu.memory_space<vmem_shared>> -> memref<10112x128xf32, #tpu.memory_space<vmem_shared>>
      tpu.wait_indirect_dma semaphore(%run_scoped3A_89 : memref<!tpu.dma_semaphore, #tpu.memory_space<semaphore_mem>>) src(%arg12 : memref<128x128xf32, #tpu.memory_space<vmem>>) dst(%dma_wait3A_101 : memref<10112x128xf32, #tpu.memory_space<vmem_shared>>)
      tpu.yield
    }) : () -> ()
    %lt3A = arith.constant 4 : i32
    %lt3A_82 = arith.cmpi slt, %add3A, %lt3A : i32
    %convert_element_type3A = arith.extui %lt3A_82 : i1 to i32
    %cond3A = arith.constant 0 : i32
    %cond3A_83 = arith.cmpi ne, %convert_element_type3A, %cond3A : i32
    scf.if %cond3A_83 {
      %add3A_89 = arith.constant 2496 : i32
      %add3A_90 = arith.addi %add3A_89, %add3A : i32
      %mul3A_91 = arith.constant 128 : i32
      %mul3A_92 = arith.muli %add3A_90, %mul3A_91 : i32
      "tpu.region"() ({
        %run_scoped3A_99 = tpu.sem_alloc : memref<!tpu.dma_semaphore, #tpu.memory_space<semaphore_mem>>
        %dma_start3A_100 = tpu.memref_slice %arg5[%mul3A_92] : memref<320000xi32, #tpu.memory_space<hbm>> -> memref<128xi32, #tpu.memory_space<hbm>>
        %dma_start3A_101 = tpu.memref_slice %arg5[%mul3A_92] : memref<320000xi32, #tpu.memory_space<hbm>> -> memref<128xi32, #tpu.memory_space<hbm>>
        tpu.enqueue_dma source(%dma_start3A_101 : memref<128xi32, #tpu.memory_space<hbm>>) target(%arg10 : memref<128xi32, #tpu.memory_space<vmem>>) target_semaphore(%run_scoped3A_99 : memref<!tpu.dma_semaphore, #tpu.memory_space<semaphore_mem>>)
        %dma_wait3A_102 = tpu.memref_slice %arg5[%mul3A_92] : memref<320000xi32, #tpu.memory_space<hbm>> -> memref<128xi32, #tpu.memory_space<hbm>>
        %dma_wait3A_103 = tpu.memref_slice %arg5[%mul3A_92] : memref<320000xi32, #tpu.memory_space<hbm>> -> memref<128xi32, #tpu.memory_space<hbm>>
        tpu.wait_dma2 semaphore(%run_scoped3A_99 : memref<!tpu.dma_semaphore, #tpu.memory_space<semaphore_mem>>) src(%dma_wait3A_103 : memref<128xi32, #tpu.memory_space<hbm>>) dst(%arg10 : memref<128xi32, #tpu.memory_space<vmem>>)
        tpu.yield
      }) : () -> ()
      "tpu.region"() ({
        %run_scoped3A_99 = tpu.sem_alloc : memref<!tpu.dma_semaphore, #tpu.memory_space<semaphore_mem>>
        %dma_start3A_100 = tpu.memref_slice %arg6[%mul3A_92] : memref<320000xi32, #tpu.memory_space<hbm>> -> memref<128xi32, #tpu.memory_space<hbm>>
        %dma_start3A_101 = tpu.memref_slice %arg6[%mul3A_92] : memref<320000xi32, #tpu.memory_space<hbm>> -> memref<128xi32, #tpu.memory_space<hbm>>
        tpu.enqueue_dma source(%dma_start3A_101 : memref<128xi32, #tpu.memory_space<hbm>>) target(%arg11 : memref<128xi32, #tpu.memory_space<vmem>>) target_semaphore(%run_scoped3A_99 : memref<!tpu.dma_semaphore, #tpu.memory_space<semaphore_mem>>)
        %dma_wait3A_102 = tpu.memref_slice %arg6[%mul3A_92] : memref<320000xi32, #tpu.memory_space<hbm>> -> memref<128xi32, #tpu.memory_space<hbm>>
        %dma_wait3A_103 = tpu.memref_slice %arg6[%mul3A_92] : memref<320000xi32, #tpu.memory_space<hbm>> -> memref<128xi32, #tpu.memory_space<hbm>>
        tpu.wait_dma2 semaphore(%run_scoped3A_99 : memref<!tpu.dma_semaphore, #tpu.memory_space<semaphore_mem>>) src(%dma_wait3A_103 : memref<128xi32, #tpu.memory_space<hbm>>) dst(%arg11 : memref<128xi32, #tpu.memory_space<vmem>>)
        tpu.yield
      }) : () -> ()
      %dma_start3A_93 = arith.constant 0 : i32
      %dma_start3A_94 = arith.constant 0 : i32
      %dma_start3A_95 = tpu.memref_slice %arg2[%dma_start3A_93, %dma_start3A_94] : memref<10000x128xf32, #tpu.memory_space<hbm>> -> memref<10000x128xf32, #tpu.memory_space<hbm>>
      tpu.enqueue_indirect_dma source(%dma_start3A_95 : memref<10000x128xf32, #tpu.memory_space<hbm>>) target(%arg12 : memref<128x128xf32, #tpu.memory_space<vmem>>) offsets(%arg10 : memref<128xi32, #tpu.memory_space<vmem>>) semaphore(%arg15 : memref<!tpu.dma_semaphore, #tpu.memory_space<semaphore_mem>>)
      %dma_wait3A_96 = arith.constant 0 : i32
      %dma_wait3A_97 = arith.constant 0 : i32
      %dma_wait3A_98 = tpu.memref_slice %arg2[%dma_wait3A_96, %dma_wait3A_97] : memref<10000x128xf32, #tpu.memory_space<hbm>> -> memref<10000x128xf32, #tpu.memory_space<hbm>>
      tpu.wait_indirect_dma semaphore(%arg15 : memref<!tpu.dma_semaphore, #tpu.memory_space<semaphore_mem>>) src(%dma_wait3A_98 : memref<10000x128xf32, #tpu.memory_space<hbm>>) dst(%arg12 : memref<128x128xf32, #tpu.memory_space<vmem>>)
      "tpu.region"() ({
        %run_scoped3A_99 = tpu.sem_alloc : memref<!tpu.dma_semaphore, #tpu.memory_space<semaphore_mem>>
        %dma_start3A_100 = arith.constant 0 : i32
        %dma_start3A_101 = arith.constant 0 : i32
        %dma_start3A_102 = tpu.memref_slice %arg14[%dma_start3A_100, %dma_start3A_101] : memref<10112x128xf32, #tpu.memory_space<vmem_shared>> -> memref<10112x128xf32, #tpu.memory_space<vmem_shared>>
        tpu.enqueue_indirect_dma source(%arg12 : memref<128x128xf32, #tpu.memory_space<vmem>>) target(%dma_start3A_102 : memref<10112x128xf32, #tpu.memory_space<vmem_shared>>) offsets(%arg11 : memref<128xi32, #tpu.memory_space<vmem>>) semaphore(%run_scoped3A_99 : memref<!tpu.dma_semaphore, #tpu.memory_space<semaphore_mem>>) {add = true}
        %dma_wait3A_103 = arith.constant 0 : i32
        %dma_wait3A_104 = arith.constant 0 : i32
        %dma_wait3A_105 = tpu.memref_slice %arg14[%dma_wait3A_103, %dma_wait3A_104] : memref<10112x128xf32, #tpu.memory_space<vmem_shared>> -> memref<10112x128xf32, #tpu.memory_space<vmem_shared>>
        tpu.wait_indirect_dma semaphore(%run_scoped3A_99 : memref<!tpu.dma_semaphore, #tpu.memory_space<semaphore_mem>>) src(%arg12 : memref<128x128xf32, #tpu.memory_space<vmem>>) dst(%dma_wait3A_105 : memref<10112x128xf32, #tpu.memory_space<vmem_shared>>)
        tpu.yield
      }) : () -> ()
    } else {
    }
    %barrier3A_84 = arith.constant 0 : index
    tpu.barrier barrier_id(%barrier3A_84)
    %mul3A_85 = arith.constant 632 : i32
    %mul3A_86 = arith.muli %arg1, %mul3A_85 : i32
    %mul3A_87 = arith.constant 632 : i32
    %mul3A_88 = arith.muli %arg1, %mul3A_87 : i32
    "tpu.region"() ({
      %run_scoped3A_89 = tpu.sem_alloc : memref<!tpu.dma_semaphore, #tpu.memory_space<semaphore_mem>>
      %dma_start3A_90 = arith.constant 0 : i32
      %dma_start3A_91 = tpu.memref_slice %arg7[%arg0, %mul3A_88, %dma_start3A_90] : memref<2x10112x128xf32, #tpu.memory_space<hbm>> -> memref<1x632x128xf32, #tpu.memory_space<hbm>>
      %dma_start3A_92 = tpu.memref_squeeze %dma_start3A_91 : memref<1x632x128xf32, #tpu.memory_space<hbm>> -> memref<632x128xf32, #tpu.memory_space<hbm>>
      %dma_start3A_93 = arith.constant 0 : i32
      %dma_start3A_94 = tpu.memref_slice %arg14[%mul3A_86, %dma_start3A_93] : memref<10112x128xf32, #tpu.memory_space<vmem_shared>> -> memref<632x128xf32, #tpu.memory_space<vmem_shared>>
      tpu.enqueue_dma source(%dma_start3A_94 : memref<632x128xf32, #tpu.memory_space<vmem_shared>>) target(%dma_start3A_92 : memref<632x128xf32, #tpu.memory_space<hbm>>) target_semaphore(%run_scoped3A_89 : memref<!tpu.dma_semaphore, #tpu.memory_space<semaphore_mem>>)
      %dma_wait3A_95 = arith.constant 0 : i32
      %dma_wait3A_96 = tpu.memref_slice %arg7[%arg0, %mul3A_88, %dma_wait3A_95] : memref<2x10112x128xf32, #tpu.memory_space<hbm>> -> memref<1x632x128xf32, #tpu.memory_space<hbm>>
      %dma_wait3A_97 = tpu.memref_squeeze %dma_wait3A_96 : memref<1x632x128xf32, #tpu.memory_space<hbm>> -> memref<632x128xf32, #tpu.memory_space<hbm>>
      %dma_wait3A_98 = arith.constant 0 : i32
      %dma_wait3A_99 = tpu.memref_slice %arg14[%mul3A_86, %dma_wait3A_98] : memref<10112x128xf32, #tpu.memory_space<vmem_shared>> -> memref<632x128xf32, #tpu.memory_space<vmem_shared>>
      tpu.wait_dma2 semaphore(%run_scoped3A_89 : memref<!tpu.dma_semaphore, #tpu.memory_space<semaphore_mem>>) src(%dma_wait3A_99 : memref<632x128xf32, #tpu.memory_space<vmem_shared>>) dst(%dma_wait3A_97 : memref<632x128xf32, #tpu.memory_space<hbm>>)
      tpu.yield
    }) : () -> ()
    return
  }
}

</mosaic_0001>

<sc_bundles>
// kernel: _sc_agg.3.cloned.1.call-start
scs
__scs_entry_jumppad:
0x0: {  	(pc) =	sbr.rel $0x88, $3  }
0x1: {  	(tag) =	ssettag $0x0;
	lr =	simm.s32 $0x1  }
0x2: {  	[smem:$0x3F9C] =	sst lr;
	_ =	strace $0xD0000000  }
0x3: {  	_ = 	snop  }
0x4: {  	_ = 	snop  }
0x5: {  	_ = 	snop  }
0x6: {  	_ = 	snop  }
0x7: {  	_ = 	snop  }
__scs_overlays_trampoline_lowered:
0x8: {  	[smem:$0x3FAB] =	sst s0  }
0x9: {  	[smem:$0x3FAC] =	sst s1  }
0xa: {  	[smem:$0x3FAD] =	sst s2  }
0xb: {  	[smem:$0x3FAE] =	sst s3  }
0xc: {  	[smem:$0x3FAF] =	sst s4  }
0xd: {  	[smem:$0x3FB0] =	sst s5  }
0xe: {  	[smem:$0x3FB1] =	sst s6  }
0xf: {  	[smem:$0x3FB2] =	sst s7  }
0x10: {  	[smem:$0x3FB3] =	sst s8  }
0x11: {  	[smem:$0x3FB4] =	sst s9;
	s0 =	simm.s32 @!p0 $0x0  }
0x12: {  	s1 =	sld [smem:$0x3F9A];
	s0 =	simm.s32 @p0 $0x1  }
0x13: {  	[smem:$0x3FB5] =	sst s0;
	s0 =	simm.s32 @!p1 $0x0  }
0x14: {  	s2 =	sld [smem:$0x3F99];
	s0 =	simm.s32 @p1 $0x1  }
0x15: {  	[smem:$0x3FB6] =	sst s0;
	s0 =	simm.s32 @!p2 $0x0  }
0x16: {  	s3 =	sld [smem:$0x3FDB];
	s0 =	simm.s32 @p2 $0x1  }
0x17: {  	s4 =	simm.s32 $0x1BF5;
	[smem:$0x3FB8] =	sst s0  }
0x18: {  	s0 =	sld [smem:$0x3F9B];
	_ =	swait.ge [sflag:s4], $0x0  }
0x19: {  	s7 =	sld [smem:$0x3F9C]  }
0x1a: {  	s8 =	sadd.s32 $0xFFFFE003, lr  }
0x1b: {  	s9 =	sadd.s32 $0xFFFFFEF7, lr;
	s5 =	simm.s32 $0xFFFFFFFF;
	p2 =	slt.u32 s8, $0xFFFFF086  }
0x1c: {  	p1 =	slt.u32 s9, $0xF7A;
	s5 =	simm.s32 @!p2 $0x0  }
0x1d: {  	s5 =	simm.s32 @p1 $0x1;
	p0 =	seq.s32 s7, s2  }
0x1e: {  	s7 =	smul.u32 @!p0 $0xF7A, s2;
	p2 =	seq.s32 @!p0 s5, $0x0  }
0x1f: {  	s9 =	smul.u32 $0xF7A, s1;
	s8 =	simm.s32 @!p0 $0x1BF5;
	p2 =	por !p2, p0  }
0x20: {  	[sflag:s8] =	ssyncset.s32 @!p0 $0xFFFFF086;
	s6 =	sadd.s32 @!p0 s3, s7;
	s7 =	simm.s32 @!p0 $0x108  }
0x21: {  	s3 =	sadd.s32 s3, s9;
	s6 =	sadd.s32 @!p0 $0x88, s6;
	s7 =	simm.s32 @p2 $0x1082  }
0x22: {  	[simem:s7], [sflag:s8] =	dma.local @!p0 [hbm:s6], $0xF7A  }
0x23: {  	s9 =	sor.u32 $0xD0000000, s2;
	s6 =	simm.s32 $0x108;
	_ =	swait.ge @!p0 [sflag:s8], $0x0  }
0x24: {  	s3 =	sadd.s32 $0x88, s3;
	s6 =	simm.s32 @!p1 $0x1082;
	[sflag:s4] =	ssyncset.s32 $0xFFFFF086  }
0x25: {  	[simem:s6], [sflag:s4] =	dma.local [hbm:s3], $0xF7A  }
0x26: {  	[smem:$0x3F9C] =	sst s1;
	(tag) =	ssettag s2;
	_ =	strace s9  }
0x27: {  	s1 =	sld [smem:$0x3FAC]  }
0x28: {  	s2 =	sld [smem:$0x3FAD]  }
0x29: {  	s4 =	sld [smem:$0x3FAF]  }
0x2a: {  	p0 =	seq.s32 s5, $0x0;
	s5 =	sld [smem:$0x3FB0]  }
0x2b: {  	s6 =	sld [smem:$0x3FB1]  }
0x2c: {  	s7 =	sld [smem:$0x3FB2]  }
0x2d: {  	s3 =	simm.s32 $0x108;
	s8 =	sld [smem:$0x3FB3]  }
0x2e: {  	s3 =	simm.s32 @!p0 $0x1082;
	s9 =	sld [smem:$0x3FB4]  }
0x2f: {  	lr =	sadd.s32 s0, s3;
	s0 =	sld [smem:$0x3FAB]  }
0x30: {  	s3 =	sld [smem:$0x3FAE]  }
0x31: {  	[smem:$0x3FB7] =	sst s10  }
0x32: {  	s10 =	sld [smem:$0x3FB5];
	_ =	sdelay $0x3  }
0x33: {  	p0 =	seq.s32 s10, $0x1;
	s10 =	sld [smem:$0x3FB7];
	_ =	sdelay $0x3  }
0x34: {  	[smem:$0x3FB7] =	sst s10  }
0x35: {  	s10 =	sld [smem:$0x3FB6];
	_ =	sdelay $0x3  }
0x36: {  	p1 =	seq.s32 s10, $0x1;
	s10 =	sld [smem:$0x3FB7];
	_ =	sdelay $0x3  }
0x37: {  	[smem:$0x3FB7] =	sst s10  }
0x38: {  	s10 =	sld [smem:$0x3FB8]  }
0x39: {  	_ = 	snop;
	(pc) =	sbr.ind lr, $3  }
0x3a: {  	_ = 	snop  }
0x3b: {  	_ = 	snop  }
0x3c: {  	p2 =	seq.s32 s10, $0x1;
	s10 =	sld [smem:$0x3FB7]  }
0x3d: {  	_ =	shalt  }
0x3e: {  	_ =	shalt  }
0x3f: {  	_ =	shalt  }
0x40: {  	_ =	shalt  }
0x41: {  	_ =	shalt  }
0x42: {  	_ =	shalt  }
0x43: {  	_ =	shalt  }
0x44: {  	_ =	shalt  }
0x45: {  	_ =	shalt  }
0x46: {  	_ =	shalt  }
0x47: {  	_ =	shalt  }
0x48: {  	_ =	shalt  }
0x49: {  	_ =	shalt  }
0x4a: {  	_ =	shalt  }
0x4b: {  	_ =	shalt  }
0x4c: {  	_ =	shalt  }
0x4d: {  	_ =	shalt  }
0x4e: {  	_ =	shalt  }
0x4f: {  	_ =	shalt  }
0x50: {  	_ =	shalt  }
0x51: {  	_ =	shalt  }
0x52: {  	_ =	shalt  }
0x53: {  	_ =	shalt  }
0x54: {  	_ =	shalt  }
0x55: {  	_ =	shalt  }
0x56: {  	_ =	shalt  }
0x57: {  	_ =	shalt  }
0x58: {  	_ =	shalt  }
0x59: {  	_ =	shalt  }
0x5a: {  	_ =	shalt  }
0x5b: {  	_ =	shalt  }
0x5c: {  	_ =	shalt  }
0x5d: {  	_ =	shalt  }
0x5e: {  	_ =	shalt  }
0x5f: {  	_ =	shalt  }
0x60: {  	_ =	shalt  }
0x61: {  	_ =	shalt  }
0x62: {  	_ =	shalt  }
0x63: {  	_ =	shalt  }
0x64: {  	_ =	shalt  }
0x65: {  	_ =	shalt  }
0x66: {  	_ =	shalt  }
0x67: {  	_ =	shalt  }
0x68: {  	_ =	shalt  }
0x69: {  	_ =	shalt  }
0x6a: {  	_ =	shalt  }
0x6b: {  	_ =	shalt  }
0x6c: {  	_ =	shalt  }
0x6d: {  	_ =	shalt  }
0x6e: {  	_ =	shalt  }
0x6f: {  	_ =	shalt  }
0x70: {  	_ =	shalt  }
0x71: {  	_ =	shalt  }
0x72: {  	_ =	shalt  }
0x73: {  	_ =	shalt  }
0x74: {  	_ =	shalt  }
0x75: {  	_ =	shalt  }
0x76: {  	_ =	shalt  }
0x77: {  	_ =	shalt  }
0x78: {  	_ =	shalt  }
0x79: {  	_ =	shalt  }
0x7a: {  	_ =	shalt  }
0x7b: {  	_ =	shalt  }
0x7c: {  	_ =	shalt  }
0x7d: {  	_ =	shalt  }
0x7e: {  	_ =	shalt  }
0x7f: {  	_ =	shalt  }
0x80: {  	_ =	shalt  }
0x81: {  	_ =	shalt  }
0x82: {  	_ =	shalt  }
0x83: {  	_ =	shalt  }
0x84: {  	_ =	shalt  }
0x85: {  	_ =	shalt  }
0x86: {  	_ =	shalt  }
0x87: {  	_ =	shalt  }
.Lfunc_end0:
.L_simem_size_0:
called_computation_lowered:
.L_overlay_start_0:
0x88: {  	s2 =	sld [smem:$0x3FD9]  }
0x89: {  	s3 =	sld [smem:$0x3FFE];
	_ =	sdelay $0x1  }
0x8a: {  	s1 =	srdreg.scid  }
0x8b: {  	s0 =	sand.u32 $0x1, s1  }
0x8c: {  	s17 =	sshll.u32 s0, $0xA;
	s2 =	sadd.s32 s3, s2  }
0x8d: {  	s2 =	sadd.s32 s2, s17  }
0x8e: {  	[smem:$0x3FC3] =	sst s2  }
0x8f: {  	_ = 	snop  }
0x90: {  	s2 =	sld [smem:$0x3FC9]  }
0x91: {  	s18 =	sld [smem:$0x3FC6]  }
0x92: {  	s4 =	sld [smem:$0x3FC5]  }
0x93: {  	s5 =	sld [smem:$0x3FD0];
	(tm) =	ssettm $0x1  }
0x94: {  	s6 =	sld [smem:$0x3FFB];
	_ =	sdelay $0x3  }
0x95: {  	_ =	strace s6  }
0x96: {  	s6 =	sld [smem:$0x3FFC];
	_ =	sdelay $0x3  }
0x97: {  	_ =	strace s6  }
0x98: {  	s6 =	sld [smem:$0x3FFD];
	_ =	sdelay $0x3  }
0x99: {  	_ =	strace s6  }
0x9a: {  	_ =	strace $0x8FFFFFFF  }
0x9b: {  	s19 =	sld [smem:$0x3FDB];
	_ =	sdelay $0x1  }
0x9c: {  	s7 =	simm.s32 $_scs_section_size  }
0x9d: {  	s8 =	simm.s32 $_size__tile_overlayer_lowered;
	s9 =	simm.s32 $_tile_overlayer_lowered  }
0x9e: {  	s22 =	simm.s32 $0x1BFF;
	s21 =	sshll.u32 s9, $0x1;
	s6 =	sadd.s32 s7, s19  }
0x9f: {  	s10 =	simm.s32 $0x0;
	s20 =	sshll.u32 s8, $0x1;
	s8 =	sadd.s32 s21, s6  }
0xa0: {  	[timem:s10], [sflag:s22] =	dma.local [hbm:s8], s20  }
0xa1: {  	_ =	swait.ge [sflag:s22], s20  }
0xa2: {  	s7 =	ssub.s32 $0x0, s20;
	[sflag:s22] =	ssyncset.done $0x0  }
0xa3: {  	[sflag:s22] =	ssyncadd.s32 s7;
	_ =	sdelay $0x1  }
0xa4: {  	s23 =	simm.s32 $0x1B8B  }
0xa5: {  	_ =	swait.ge [sflag:s23], $0x1  }
0xa6: {  	[sflag:s23] =	ssyncset.done $0x0  }
0xa7: {  	s25 =	simm.s32 $0x1B8E;
	s24 =	sld [smem:$0x3FFE];
	[sflag:s23] =	ssyncadd.s32 $0xFFFFFFFF  }
0xa8: {  	s26 =	simm.s32 $execute0_lowered;
	[smem:$0x3FD2] =	sst s25  }
0xa9: {  	s8 =	sshll.u32 s26, $0x1;
	_ =	strace $0x80000046;
	[dreg:$0x1] =	wrdreg $0xFFFFFFFF  }
0xaa: {  	s28 =	simm.s32 $_size_execute0_lowered;
	s6 =	sadd.s32 s6, s8;
	[dreg:$0x0] =	wrdreg $0x0  }
0xab: {  	s8 =	sshll.u32 s28, $0x1;
	[dreg:$0x2] =	wrdreg s6  }
0xac: {  	[dreg:$0x3] =	wrdreg s8  }
0xad: {  	[dreg:$0x4] =	wrdreg $0xC0  }
0xae: {  	_ =	task [dreg:s10], $0x5FFFF  }
0xaf: {  	[dreg:$0x1] =	wrdreg $0xFFFFFFFF  }
0xb0: {  	[dreg:$0x0] =	wrdreg $0x60  }
0xb1: {  	[dreg:$0x2] =	wrdreg s2  }
0xb2: {  	[dreg:$0x3] =	wrdreg s24  }
0xb3: {  	[dreg:$0x4] =	wrdreg s18  }
0xb4: {  	[dreg:$0x5] =	wrdreg s4  }
0xb5: {  	[dreg:$0x6] =	wrdreg s5  }
0xb6: {  	[dreg:$0x7] =	wrdreg $0xA9000  }
0xb7: {  	[dreg:$0x8] =	wrdreg $0x9  }
0xb8: {  	_ =	task.clear_ibuf [dreg:s10], $0x9FFFF;
	_ =	strace $0x90000046  }
0xb9: {  	s29 =	simm.s32 $0x9;
	_ =	strace $0x80000048  }
0xba: {  	_ =	swait.ge [sflag:s29], $0x1  }
0xbb: {  	[sflag:s29] =	ssyncadd.s32 $0xFFFFFFFF  }
0xbc: {  	_ =	strace $0x90000048  }
0xbd: {  	_ =	sfence  }
0xbe: {  	s30 =	sld [smem:$0x0];
	_ =	sdelay $0x2  }
0xbf: {  	s31 =	sshll.u32 s1, $0xD;
	s1 =	sshrl.u32 s1, $0x2  }
0xc0: {  	s3 =	sand.u32 $0x4000, s31;
	s1 =	sadd.s32 s1, s30  }
0xc1: {  	s0 =	sor.u32 s3, s0;
	s1 =	sshll.u32 s1, $0x11  }
0xc2: {  	s0 =	sor.u32 s1, s0  }
0xc3: {  	s0 =	sadd.s32 $0x8F2B, s0  }
0xc4: {  	[sflag:s0] =	ssyncadd.remote.s32 $0x1  }
0xc5: {  	_ =	sfence.sel $0xFFFF  }
0xc6: {  	[dreg:$0x0] =	wrdreg $0xFFFFFFFF;
	(pc) =	sbr.abs _section_cstart, $3  }
0xc7: {  	[dreg:$0x1] =	wrdreg $0xFFFFFFFF  }
0xc8: {  	_ =	task.clear_ibuf [dreg:s10], $0x2FFFF;
	_ =	strace $0x9FFFFFFF  }
0xc9: {  	(tm) =	ssettm $0x7FFFFFFF  }
tec
execute0_lowered:
.L_overlay_start_1:
0x0: {  	(tag) =	ssettag $0x1  }
0x1: {  	s0 =	rddreg [dreg:$0x0]  }
0x2: {  	s1 =	rddreg [dreg:$0x1]  }
0x3: {  	s2 =	rddreg [dreg:$0x2]  }
0x4: {  	s4 =	rddreg [dreg:$0x3]  }
0x5: {  	s5 =	rddreg [dreg:$0x4]  }
0x6: {  	s6 =	srdreg.scid;
	s26 =	stileid.u32  }
0x7: {  	s3 =	rddreg [dreg:$0x5];
	s9 =	simm.s32 $0x0;
	s28 =	simm.s32 $0x2  }
0x8: {  	s29 =	simm.s32 $0x2600;
	s30 =	simm.s32 $0x1300;
	s31 =	simm.s32 $0x2680  }
0x9: {  	s6 =	sand.u32 $0x1, s6;
	s7 =	sshll.u32 s26, $0x1;
	[smem:$0x7FF] =	sst s9  }
0xa: {  	s12 =	sadd.s32 $0x600, s1;
	s1 =	sadd.s32 $0xA600, s1;
	s20 =	smul.u32 $0x13C00, s26  }
0xb: {  	s22 =	smul.u32 $0x4F000, s26;
	p0 =	sgt.u32 s26, $0x1;
	s26 =	simm.s32 $0x1  }
0xc: {  	s8 =	sor.u32 s6, s7;
	s15 =	ssub.s32 $0x2, s6;
	s6 =	smul.u32 $0x13C000, s6  }
0xd: {  	_ =	strace $0x80000047;
	s16 =	smul.u32 $0x500, s8;
	s10 =	sshrl.u32 s15, $0x1  }
0xe: {  	s11 =	smul.u32 $0x2800, s8;
	s21 =	sshll.u32 s8, $0x4;
	s25 =	sshrl.u32 s22, $0x2  }
0xf: {  	s22 =	simm.s32 $0x3;
	s13 =	ssub.s32 s15, s10;
	s23 =	sor.u32 $0x9C00, s21  }
0x10: {  	s6 =	sadd.s32 s20, s6;
	s21 =	simm.s32 $0x2900;
	s17 =	sadd.s32 s12, s16  }
0x11: {  	s18 =	sshrl.u32 s11, $0x3;
	s9 =	sadd.s32 s1, s16;
	s24 =	sshrl.u32 s6, $0x3  }
0x12: {  	s10 =	sadd.s32 s4, s23;
	s13 =	smax.u32 s13, $0x1;
	[dreg:$0x7] =	wrdreg s17  }
0x13: {  	[dreg:$0x8] =	wrdreg s9;
	s19 =	sadd.s32 $0x280, s18;
	s9 =	sadd.s32 s2, s23  }
0x14: {  	s11 =	sadd.s32 s5, s24;
	s23 =	simm.s32 $0x1400;
	s24 =	simm.s32 $0x80  }
0x15: {  	s2 =	simm.s32 $0x2700;
	s7 =	sadd.s32 s12, s19;
	s1 =	sadd.s32 s1, s19  }
0x16: {  	s12 =	sadd.s32 s25, s3;
	s25 =	simm.s32 $0x6900;
	[dreg:$0x9] =	wrdreg s7  }
0x17: {  	[dreg:$0xa] =	wrdreg s1;
	s14 =	sadd.s32 $0x2780, s12;
	s15 =	sadd.s32 $0x4F00, s12  }
0x18: {  	s16 =	sadd.s32 $0x7680, s12;
	s17 =	sadd.s32 $0x9E00, s12;
	s18 =	sadd.s32 $0xC580, s12  }
0x19: {  	v0 =	vimm.f32 $0.0e+00;
	s19 =	sadd.s32 $0xED00, s12;
	s20 =	sadd.s32 $0x11480, s12;
	s1 =	simm.s32 $0x0  }
.LBB2_1:
0x1a: {  	s5 =	simm.s32 $0x0  }
0x1b: {  	s4 =	sand.u32 $0xFE00, s5  }
0x1c: {  	s5 =	sand.u32 $0x70, s5;
	s6 =	sshrl.u32 s4, $0x2  }
0x1d: {  	s4 =	simm.s32 $0x40;
	s6 =	sor.u32 s5, s6;
	s5 =	simm.s32 $0x0  }
.LBB2_2:
0x1e: {  	p1 =	sne.s32 s4, $0xFFC0  }
0x1f: {  	[tilespmem:s6+$0x2900] =	vst v0;
	s5 =	sadd.s32 $0x10, s5;
	s6 =	smov.u32 s4;
	s4 =	sadd.s32 $0x40, s4  }
.Ltmp0:
0x20: {  	(pc) =	sbr.rel @p1 .LBB2_2-.Ltmp0, $4  }
0x21: {  	_ = 	snop  }
0x22: {  	s6 =	sand.u32 $0xFE00, s6  }
0x23: {  	s7 =	sand.u32 $0x70, s5;
	s6 =	sshrl.u32 s6, $0x2  }
0x24: {  	s6 =	sor.u32 s7, s6  }
0x25: {  	[tilespmem:s6+$0x2900] =	vst v0  }
0x26: {  	[spmem:s12] =	stream.linear.scatter [tilespmem:s21], [sflag:$0x3], $0x2780, $0x38;
	[tilespmem:$0x1E500] =	vst v63  }
0x27: {  	_ =	swait.ge [sflag:s22], $0x2780  }
0x28: {  	[sflag:s22] =	ssyncset.done $0x0  }
0x29: {  	[sflag:s22] =	ssyncadd.s32 $0xFFFFD880  }
0x2a: {  	[spmem:s14] =	stream.linear.scatter [tilespmem:s21], [sflag:$0x3], $0x2780, $0x38;
	[tilespmem:$0x1E500] =	vst v63  }
0x2b: {  	_ =	swait.ge [sflag:s22], $0x2780  }
0x2c: {  	[sflag:s22] =	ssyncset.done $0x0  }
0x2d: {  	[sflag:s22] =	ssyncadd.s32 $0xFFFFD880  }
0x2e: {  	[spmem:s15] =	stream.linear.scatter [tilespmem:s21], [sflag:$0x3], $0x2780, $0x38;
	[tilespmem:$0x1E500] =	vst v63  }
0x2f: {  	_ =	swait.ge [sflag:s22], $0x2780  }
0x30: {  	[sflag:s22] =	ssyncset.done $0x0  }
0x31: {  	[sflag:s22] =	ssyncadd.s32 $0xFFFFD880  }
0x32: {  	[spmem:s16] =	stream.linear.scatter [tilespmem:s21], [sflag:$0x3], $0x2780, $0x38;
	[tilespmem:$0x1E500] =	vst v63  }
0x33: {  	_ =	swait.ge [sflag:s22], $0x2780  }
0x34: {  	[sflag:s22] =	ssyncset.done $0x0  }
0x35: {  	[sflag:s22] =	ssyncadd.s32 $0xFFFFD880  }
0x36: {  	[spmem:s17] =	stream.linear.scatter [tilespmem:s21], [sflag:$0x3], $0x2780, $0x38;
	[tilespmem:$0x1E500] =	vst v63  }
0x37: {  	_ =	swait.ge [sflag:s22], $0x2780  }
0x38: {  	[sflag:s22] =	ssyncset.done $0x0  }
0x39: {  	[sflag:s22] =	ssyncadd.s32 $0xFFFFD880  }
0x3a: {  	[spmem:s18] =	stream.linear.scatter [tilespmem:s21], [sflag:$0x3], $0x2780, $0x38;
	[tilespmem:$0x1E500] =	vst v63  }
0x3b: {  	_ =	swait.ge [sflag:s22], $0x2780  }
0x3c: {  	[sflag:s22] =	ssyncset.done $0x0  }
0x3d: {  	[sflag:s22] =	ssyncadd.s32 $0xFFFFD880  }
0x3e: {  	[spmem:s19] =	stream.linear.scatter [tilespmem:s21], [sflag:$0x3], $0x2780, $0x38;
	[tilespmem:$0x1E500] =	vst v63  }
0x3f: {  	_ =	swait.ge [sflag:s22], $0x2780  }
0x40: {  	[sflag:s22] =	ssyncset.done $0x0  }
0x41: {  	[sflag:s22] =	ssyncadd.s32 $0xFFFFD880  }
0x42: {  	[spmem:s20] =	stream.linear.scatter [tilespmem:s21], [sflag:$0x3], $0x2780, $0x38;
	[tilespmem:$0x1E500] =	vst v63  }
0x43: {  	_ =	swait.ge [sflag:s22], $0x2780  }
0x44: {  	[sflag:s22] =	ssyncset.done $0x0  }
0x45: {  	[sflag:s22] =	ssyncadd.s32 $0xFFFFD880  }
0x46: {  	[bflag:$0x0] =	sbarrier.arrive $0xFFFF  }
0x47: {  	s4 =	simm.s32 $0x0;
	s5 =	rddreg [dreg:$0x7]  }
0x48: {  	[tilespmem:s4], [sflag:$0x3] =	stream.linear.gather [hbm4b:s5+s4], $0x1380, $0x38;
	[tilespmem:$0x1E500] =	vst v63  }
0x49: {  	_ =	swait.ge [sflag:s22], $0x1380  }
0x4a: {  	[sflag:s22] =	ssyncset.done $0x0  }
0x4b: {  	s8 =	rddreg [dreg:$0x8];
	[sflag:s22] =	ssyncadd.s32 $0xFFFFEC80  }
0x4c: {  	[tilespmem:s23], [sflag:$0x3] =	stream.linear.gather [hbm4b:s8+s4], $0x1380, $0x38;
	[tilespmem:$0x1E500] =	vst v63  }
0x4d: {  	_ =	swait.ge [sflag:s22], $0x1380  }
0x4e: {  	[sflag:s22] =	ssyncset.done $0x0  }
0x4f: {  	[sflag:s22] =	ssyncadd.s32 $0xFFFFEC80  }
0x50: {  	[tilespmem:s21], [sflag:$0x1] =	stream.indirect.gather [hbm4b:s0+s24], $0x80, s4, s24, $0xb8;
	[tilespmem:$0x1E500] =	vst v63  }
0x51: {  	_ = 	snop  }
0x52: {  	[tilespmem:s25], [sflag:$0x2] =	stream.indirect.gather [hbm4b:s0+s24], $0x80, s24, s24, $0xb8;
	[tilespmem:$0x1E500] =	vst v63  }
0x53: {  	_ =	swait.ge [sflag:s26], $0x4000  }
0x54: {  	[sflag:s26] =	ssyncset.done $0x0  }
0x55: {  	s6 =	simm.s32 $0x1400;
	[sflag:s26] =	ssyncadd.s32 $0xFFFFC000  }
0x56: {  	[spmem:s3] =	stream.indirect.scatter.add.f32 [tilespmem:s21], [sflag:$0x3], $0x80, s6, s24, $0xb8;
	[tilespmem:$0x1E500] =	vst v63  }
0x57: {  	_ =	swait.ge [sflag:s22], $0x4000  }
0x58: {  	[sflag:s22] =	ssyncset.done $0x0  }
0x59: {  	s7 =	simm.s32 $0x100;
	[sflag:s22] =	ssyncadd.s32 $0xFFFFC000  }
0x5a: {  	[tilespmem:s21], [sflag:$0x1] =	stream.indirect.gather [hbm4b:s0+s24], $0x80, s7, s24, $0xb8;
	[tilespmem:$0x1E500] =	vst v63  }
0x5b: {  	_ =	swait.ge [sflag:s28], $0x4000  }
0x5c: {  	[sflag:s28] =	ssyncset.done $0x0  }
0x5d: {  	s8 =	simm.s32 $0x1480;
	[sflag:s28] =	ssyncadd.s32 $0xFFFFC000  }
0x5e: {  	[spmem:s3] =	stream.indirect.scatter.add.f32 [tilespmem:s25], [sflag:$0x3], $0x80, s8, s24, $0xb8;
	[tilespmem:$0x1E500] =	vst v63  }
0x5f: {  	_ =	swait.ge [sflag:s22], $0x4000  }
0x60: {  	[sflag:s22] =	ssyncset.done $0x0  }
0x61: {  	s5 =	simm.s32 $0x180;
	s4 =	simm.s32 $0x400;
	[sflag:s22] =	ssyncadd.s32 $0xFFFFC000  }
.LBB2_4:
0x62: {  	[tilespmem:s25], [sflag:$0x2] =	stream.indirect.gather [hbm4b:s0+s24], $0x80, s5, s24, $0xb8;
	[tilespmem:$0x1E500] =	vst v63  }
0x63: {  	s5 =	smov.u32 s4  }
0x64: {  	p1 =	sne.s32 s4, $0x4400;
	s4 =	sadd.s32 $0x400, s4;
	_ =	swait.ge [sflag:s26], $0x4000  }
0x65: {  	s5 =	sshra.s32 s5, $0x2;
	[sflag:s26] =	ssyncset.done $0x0  }
0x66: {  	s6 =	sadd.s32 $0x1400, s5;
	[sflag:s26] =	ssyncadd.s32 $0xFFFFC000  }
0x67: {  	[spmem:s3] =	stream.indirect.scatter.add.f32 [tilespmem:s21], [sflag:$0x3], $0x80, s6, s24, $0xb8;
	[tilespmem:$0x1E500] =	vst v63  }
0x68: {  	_ =	swait.ge [sflag:s22], $0x4000  }
0x69: {  	[sflag:s22] =	ssyncset.done $0x0  }
0x6a: {  	s6 =	sadd.s32 $0x100, s5;
	[sflag:s22] =	ssyncadd.s32 $0xFFFFC000  }
0x6b: {  	[tilespmem:s21], [sflag:$0x1] =	stream.indirect.gather [hbm4b:s0+s24], $0x80, s6, s24, $0xb8;
	[tilespmem:$0x1E500] =	vst v63  }
0x6c: {  	_ =	swait.ge [sflag:s28], $0x4000  }
0x6d: {  	[sflag:s28] =	ssyncset.done $0x0  }
.Ltmp1:
0x6e: {  	s6 =	sadd.s32 $0x1480, s5;
	[sflag:s28] =	ssyncadd.s32 $0xFFFFC000;
	(pc) =	sbr.rel @p1 .LBB2_4-.Ltmp1, $4  }
0x6f: {  	[spmem:s3] =	stream.indirect.scatter.add.f32 [tilespmem:s25], [sflag:$0x3], $0x80, s6, s24, $0xb8;
	[tilespmem:$0x1E500] =	vst v63  }
0x70: {  	_ =	swait.ge [sflag:s22], $0x4000  }
0x71: {  	[sflag:s22] =	ssyncset.done $0x0  }
0x72: {  	s5 =	sadd.s32 $0x180, s5;
	[sflag:s22] =	ssyncadd.s32 $0xFFFFC000  }
0x73: {  	[tilespmem:s25], [sflag:$0x2] =	stream.indirect.gather [hbm4b:s0+s24], $0x80, s5, s24, $0xb8;
	[tilespmem:$0x1E500] =	vst v63  }
0x74: {  	_ =	swait.ge [sflag:s26], $0x4000  }
0x75: {  	[sflag:s26] =	ssyncset.done $0x0  }
0x76: {  	[sflag:s26] =	ssyncadd.s32 $0xFFFFC000  }
0x77: {  	[spmem:s3] =	stream.indirect.scatter.add.f32 [tilespmem:s21], [sflag:$0x3], $0x80, s29, s24, $0xb8;
	[tilespmem:$0x1E500] =	vst v63  }
0x78: {  	_ =	swait.ge [sflag:s22], $0x4000  }
0x79: {  	[sflag:s22] =	ssyncset.done $0x0  }
0x7a: {  	[sflag:s22] =	ssyncadd.s32 $0xFFFFC000  }
0x7b: {  	[tilespmem:s21], [sflag:$0x1] =	stream.indirect.gather [hbm4b:s0+s24], $0x80, s30, s24, $0xb8;
	[tilespmem:$0x1E500] =	vst v63  }
0x7c: {  	_ =	swait.ge [sflag:s28], $0x4000  }
0x7d: {  	[sflag:s28] =	ssyncset.done $0x0  }
0x7e: {  	[sflag:s28] =	ssyncadd.s32 $0xFFFFC000  }
0x7f: {  	[spmem:s3] =	stream.indirect.scatter.add.f32 [tilespmem:s25], [sflag:$0x3], $0x80, s31, s24, $0xb8;
	[tilespmem:$0x1E500] =	vst v63  }
0x80: {  	_ =	swait.ge [sflag:s22], $0x4000  }
0x81: {  	[sflag:s22] =	ssyncset.done $0x0  }
0x82: {  	[sflag:s22] =	ssyncadd.s32 $0xFFFFC000  }
0x83: {  	_ =	swait.ge [sflag:s26], $0x4000  }
0x84: {  	[sflag:s26] =	ssyncset.done $0x0  }
0x85: {  	[sflag:s26] =	ssyncadd.s32 $0xFFFFC000  }
0x86: {  	[spmem:s3] =	stream.indirect.scatter.add.f32 [tilespmem:s21], [sflag:$0x3], $0x80, s2, s24, $0xb8;
	[tilespmem:$0x1E500] =	vst v63  }
0x87: {  	_ =	swait.ge [sflag:s22], $0x4000  }
0x88: {  	[sflag:s22] =	ssyncset.done $0x0  }
0x89: {  	s4 =	simm.s32 $0x0;
	s7 =	rddreg [dreg:$0x9];
	[sflag:s22] =	ssyncadd.s32 $0xFFFFC000  }
0x8a: {  	[tilespmem:s4], [sflag:$0x3] =	stream.linear.gather [hbm4b:s7+s4], $0x1380, $0x38;
	[tilespmem:$0x1E500] =	vst v63  }
0x8b: {  	_ =	swait.ge [sflag:s22], $0x1380  }
0x8c: {  	[sflag:s22] =	ssyncset.done $0x0  }
0x8d: {  	s8 =	rddreg [dreg:$0xa];
	[sflag:s22] =	ssyncadd.s32 $0xFFFFEC80  }
0x8e: {  	[tilespmem:s23], [sflag:$0x3] =	stream.linear.gather [hbm4b:s8+s4], $0x1380, $0x38;
	[tilespmem:$0x1E500] =	vst v63  }
0x8f: {  	_ =	swait.ge [sflag:s22], $0x1380  }
0x90: {  	[sflag:s22] =	ssyncset.done $0x0  }
0x91: {  	[sflag:s22] =	ssyncadd.s32 $0xFFFFEC80  }
0x92: {  	[tilespmem:s21], [sflag:$0x1] =	stream.indirect.gather [hbm4b:s0+s24], $0x80, s4, s24, $0xb8;
	[tilespmem:$0x1E500] =	vst v63  }
0x93: {  	_ = 	snop  }
0x94: {  	[tilespmem:s25], [sflag:$0x2] =	stream.indirect.gather [hbm4b:s0+s24], $0x80, s24, s24, $0xb8;
	[tilespmem:$0x1E500] =	vst v63  }
0x95: {  	_ =	swait.ge [sflag:s26], $0x4000  }
0x96: {  	[sflag:s26] =	ssyncset.done $0x0  }
0x97: {  	s6 =	simm.s32 $0x1400;
	[sflag:s26] =	ssyncadd.s32 $0xFFFFC000  }
0x98: {  	[spmem:s3] =	stream.indirect.scatter.add.f32 [tilespmem:s21], [sflag:$0x3], $0x80, s6, s24, $0xb8;
	[tilespmem:$0x1E500] =	vst v63  }
0x99: {  	_ =	swait.ge [sflag:s22], $0x4000  }
0x9a: {  	[sflag:s22] =	ssyncset.done $0x0  }
0x9b: {  	s7 =	simm.s32 $0x100;
	[sflag:s22] =	ssyncadd.s32 $0xFFFFC000  }
0x9c: {  	[tilespmem:s21], [sflag:$0x1] =	stream.indirect.gather [hbm4b:s0+s24], $0x80, s7, s24, $0xb8;
	[tilespmem:$0x1E500] =	vst v63  }
0x9d: {  	_ =	swait.ge [sflag:s28], $0x4000  }
0x9e: {  	[sflag:s28] =	ssyncset.done $0x0  }
0x9f: {  	s8 =	simm.s32 $0x1480;
	[sflag:s28] =	ssyncadd.s32 $0xFFFFC000  }
0xa0: {  	[spmem:s3] =	stream.indirect.scatter.add.f32 [tilespmem:s25], [sflag:$0x3], $0x80, s8, s24, $0xb8;
	[tilespmem:$0x1E500] =	vst v63  }
0xa1: {  	_ =	swait.ge [sflag:s22], $0x4000  }
0xa2: {  	[sflag:s22] =	ssyncset.done $0x0  }
0xa3: {  	s5 =	simm.s32 $0x180;
	s4 =	simm.s32 $0x400;
	[sflag:s22] =	ssyncadd.s32 $0xFFFFC000  }
.LBB2_6:
0xa4: {  	[tilespmem:s25], [sflag:$0x2] =	stream.indirect.gather [hbm4b:s0+s24], $0x80, s5, s24, $0xb8;
	[tilespmem:$0x1E500] =	vst v63  }
0xa5: {  	s5 =	smov.u32 s4  }
0xa6: {  	p1 =	sne.s32 s4, $0x4400;
	s4 =	sadd.s32 $0x400, s4;
	_ =	swait.ge [sflag:s26], $0x4000  }
0xa7: {  	s5 =	sshra.s32 s5, $0x2;
	[sflag:s26] =	ssyncset.done $0x0  }
0xa8: {  	s6 =	sadd.s32 $0x1400, s5;
	[sflag:s26] =	ssyncadd.s32 $0xFFFFC000  }
0xa9: {  	[spmem:s3] =	stream.indirect.scatter.add.f32 [tilespmem:s21], [sflag:$0x3], $0x80, s6, s24, $0xb8;
	[tilespmem:$0x1E500] =	vst v63  }
0xaa: {  	_ =	swait.ge [sflag:s22], $0x4000  }
0xab: {  	[sflag:s22] =	ssyncset.done $0x0  }
0xac: {  	s6 =	sadd.s32 $0x100, s5;
	[sflag:s22] =	ssyncadd.s32 $0xFFFFC000  }
0xad: {  	[tilespmem:s21], [sflag:$0x1] =	stream.indirect.gather [hbm4b:s0+s24], $0x80, s6, s24, $0xb8;
	[tilespmem:$0x1E500] =	vst v63  }
0xae: {  	_ =	swait.ge [sflag:s28], $0x4000  }
0xaf: {  	[sflag:s28] =	ssyncset.done $0x0  }
.Ltmp2:
0xb0: {  	s6 =	sadd.s32 $0x1480, s5;
	[sflag:s28] =	ssyncadd.s32 $0xFFFFC000;
	(pc) =	sbr.rel @p1 .LBB2_6-.Ltmp2, $4  }
0xb1: {  	[spmem:s3] =	stream.indirect.scatter.add.f32 [tilespmem:s25], [sflag:$0x3], $0x80, s6, s24, $0xb8;
	[tilespmem:$0x1E500] =	vst v63  }
0xb2: {  	_ =	swait.ge [sflag:s22], $0x4000  }
0xb3: {  	[sflag:s22] =	ssyncset.done $0x0  }
0xb4: {  	s5 =	sadd.s32 $0x180, s5;
	[sflag:s22] =	ssyncadd.s32 $0xFFFFC000  }
0xb5: {  	[tilespmem:s25], [sflag:$0x2] =	stream.indirect.gather [hbm4b:s0+s24], $0x80, s5, s24, $0xb8;
	[tilespmem:$0x1E500] =	vst v63  }
0xb6: {  	_ =	swait.ge [sflag:s26], $0x4000  }
0xb7: {  	[sflag:s26] =	ssyncset.done $0x0  }
0xb8: {  	[sflag:s26] =	ssyncadd.s32 $0xFFFFC000  }
0xb9: {  	[spmem:s3] =	stream.indirect.scatter.add.f32 [tilespmem:s21], [sflag:$0x3], $0x80, s29, s24, $0xb8;
	[tilespmem:$0x1E500] =	vst v63  }
0xba: {  	_ =	swait.ge [sflag:s22], $0x4000  }
0xbb: {  	[sflag:s22] =	ssyncset.done $0x0  }
0xbc: {  	[sflag:s22] =	ssyncadd.s32 $0xFFFFC000  }
0xbd: {  	[tilespmem:s21], [sflag:$0x1] =	stream.indirect.gather [hbm4b:s0+s24], $0x80, s30, s24, $0xb8;
	[tilespmem:$0x1E500] =	vst v63  }
0xbe: {  	_ =	swait.ge [sflag:s28], $0x4000  }
0xbf: {  	[sflag:s28] =	ssyncset.done $0x0  }
0xc0: {  	[sflag:s28] =	ssyncadd.s32 $0xFFFFC000  }
0xc1: {  	[spmem:s3] =	stream.indirect.scatter.add.f32 [tilespmem:s25], [sflag:$0x3], $0x80, s31, s24, $0xb8;
	[tilespmem:$0x1E500] =	vst v63  }
0xc2: {  	_ =	swait.ge [sflag:s22], $0x4000  }
0xc3: {  	[sflag:s22] =	ssyncset.done $0x0  }
0xc4: {  	[sflag:s22] =	ssyncadd.s32 $0xFFFFC000  }
0xc5: {  	_ =	swait.ge [sflag:s26], $0x4000  }
0xc6: {  	[sflag:s26] =	ssyncset.done $0x0  }
0xc7: {  	[sflag:s26] =	ssyncadd.s32 $0xFFFFC000  }
0xc8: {  	[spmem:s3] =	stream.indirect.scatter.add.f32 [tilespmem:s21], [sflag:$0x3], $0x80, s2, s24, $0xb8;
	[tilespmem:$0x1E500] =	vst v63  }
0xc9: {  	_ =	swait.ge [sflag:s22], $0x4000  }
0xca: {  	s4 =	simm.s32 @!p0 $0x0;
	[sflag:s22] =	ssyncset.done $0x0  }
0xcb: {  	s5 =	simm.s32 @!p0 $0x2800;
	s6 =	simm.s32 @!p0 $0x3;
	[sflag:s22] =	ssyncadd.s32 $0xFFFFC000  }
0xcc: {  	[tilespmem:s5], [sflag:$0x3] =	stream.linear.gather @!p0 [hbm4b:s9+s4], $0x80, $0x38;
	[tilespmem:$0x1E500] =	vst v63  }
0xcd: {  	_ =	swait.ge @!p0 [sflag:s6], $0x80  }
0xce: {  	[sflag:s6] =	ssyncset.done @!p0 $0x0  }
0xcf: {  	s7 =	simm.s32 @!p0 $0x2880;
	[sflag:s6] =	ssyncadd.s32 @!p0 $0xFFFFFF80  }
0xd0: {  	[tilespmem:s7], [sflag:$0x3] =	stream.linear.gather @!p0 [hbm4b:s10+s4], $0x80, $0x38;
	[tilespmem:$0x1E500] =	vst v63  }
0xd1: {  	_ =	swait.ge @!p0 [sflag:s6], $0x80  }
0xd2: {  	[sflag:s6] =	ssyncset.done @!p0 $0x0  }
0xd3: {  	s8 =	simm.s32 @!p0 $0x2900;
	s4 =	simm.s32 @!p0 $0x80;
	[sflag:s6] =	ssyncadd.s32 @!p0 $0xFFFFFF80  }
0xd4: {  	[tilespmem:s8], [sflag:$0x1] =	stream.indirect.gather @!p0 [hbm4b:s0+s4], $0x80, s5, s4, $0xb8;
	[tilespmem:$0x1E500] =	vst v63  }
0xd5: {  	s5 =	simm.s32 @!p0 $0x1  }
0xd6: {  	_ =	swait.ge @!p0 [sflag:s5], $0x4000  }
0xd7: {  	[sflag:s5] =	ssyncset.done @!p0 $0x0  }
0xd8: {  	[sflag:s5] =	ssyncadd.s32 @!p0 $0xFFFFC000  }
0xd9: {  	[spmem:s3] =	stream.indirect.scatter.add.f32 @!p0 [tilespmem:s8], [sflag:$0x3], $0x80, s7, s4, $0xb8;
	[tilespmem:$0x1E500] =	vst v63  }
0xda: {  	s1 =	sadd.s32 $0x1, s1;
	_ =	swait.ge @!p0 [sflag:s6], $0x4000  }
0xdb: {  	p1 =	sne.s32 s1, s13;
	s7 =	stileid.u32;
	[sflag:s6] =	ssyncset.done @!p0 $0x0  }
0xdc: {  	s8 =	sshrl.u32 s12, $0x3;
	s4 =	sshll.u32 s7, $0x6;
	[sflag:s6] =	ssyncadd.s32 @!p0 $0xFFFFC000  }
.Ltmp3:
0xdd: {  	s4 =	sor.u32 $0x1C03, s4;
	[bflag:$0x0] =	sbarrier.arrive $0xFFFF;
	(pc) =	sbr.rel @p1 .LBB2_1-.Ltmp3, $4  }
0xde: {  	[hbm:s11], [sflag:s4] =	dma.local [spmem:s8], $0x2780  }
0xdf: {  	_ =	swait.ge [sflag:s22], $0x2780  }
0xe0: {  	[sflag:s22] =	ssyncset.done $0x0  }
0xe1: {  	[sflag:s22] =	ssyncadd.s32 $0xFFFFD880  }
0xe2: {  	_ =	sfence.sel $0x180000  }
0xe3: {  	[bflag:$0x0] =	sbarrier.arrive $0xFFFF  }
0xe4: {  	_ =	strace $0x90000047  }
0xe5: {  	s0 =	stileid.u32;
	[bflag:$0x2] =	sbarrier.arrive $0xFFFF  }
0xe6: {  	p0 =	sne.s32 s0, $0x0;
	s0 =	rddreg [dreg:$0x6]  }
0xe7: {  	s0 =	sadd.s32 @!p0 $0x100000, s0  }
0xe8: {  	[sflag:s0] =	ssyncadd.tile.s32 @!p0 $0x1;
	_ =	shalt  }
.Lfunc_end2:
_tile_overlayer_lowered:
.L_overlay_start_2:
0xe9: {  	(tag) =	ssettag $0x2  }
0xea: {  	s0 =	rddreg [dreg:$0x0];
	s2 =	stileid.u32  }
0xeb: {  	s1 =	rddreg [dreg:$0x1];
	p0 =	sne.s32 s2, $0x0  }
0xec: {  	s3 =	rddreg [dreg:$0x2];
	[bflag:$0x3] =	sbarrier.arrive $0xFFFF;
	s2 =	simm.s32 @!p0 $0x1C03  }
0xed: {  	[timem:s3], [sflag:s2] =	dma.local @!p0 [hbm:s0], s1  }
0xee: {  	s0 =	simm.s32 @!p0 $0x3  }
0xef: {  	_ =	swait.ge @!p0 [sflag:s0], s1  }
0xf0: {  	s1 =	ssub.s32 @!p0 $0x0, s1;
	[sflag:s0] =	ssyncset.done @!p0 $0x0  }
0xf1: {  	[sflag:s0] =	ssyncadd.s32 @!p0 s1  }
0xf2: {  	[bflag:$0x3] =	sbarrier.arrive $0xFFFF  }
0xf3: {  	_ =	shalt  }

</sc_bundles>
